<compile_context>
chip_gen: v7x
topology: tpu7x:2x2x1
jax: 0.10.2.dev20260603
libtpu: 0.0.44.dev20260713+nightly
codegen_flags: <defaults>
</compile_context>

<pallas_src>
import functools

import jax
import jax.numpy as jnp
from jax import lax
from jax.experimental import pallas as pl
from jax.experimental.pallas import tpu as pltpu
from jax.experimental.pallas import tpu_sc as plsc

N = 10000
E = 320000
D = 128
NC = 2
NS = 16
NW = NC * NS
NP = 10240
ROWS = NP // D
EPW = E // NW
K = 128
EP = 327680
C = EP // (NS * K)
NBUF = 5
RPT = NP // NS

_mesh = plsc.VectorSubcoreMesh(core_axis_name="c", subcore_axis_name="s")


@functools.partial(
    pl.kernel,
    out_type=jax.ShapeDtypeStruct((NW, NP), jnp.float32),
    mesh=_mesh,
    scratch_types=[
        pltpu.VMEM((EPW,), jnp.int32),
        pltpu.VMEM((NP,), jnp.float32),
    ],
    compiler_params=pltpu.CompilerParams(needs_layout_passes=False),
)
def _sc_count(dst_hbm, z_hbm, cnt_hbm, dstv, cntv):
    c = lax.axis_index("c")
    s = lax.axis_index("s")
    w = c * NS + s
    pltpu.sync_copy(dst_hbm.at[w], dstv)
    pltpu.sync_copy(z_hbm, cntv)

    ones = jnp.ones((16,), jnp.float32)

    def body(j, carry):
        v = dstv[pl.ds(j * 16, 16)]
        plsc.addupdate_scatter(cntv, [v], ones)
        return carry

    lax.fori_loop(0, EPW // 16, body, 0)
    pltpu.sync_copy(cntv, cnt_hbm.at[w])


D2 = D // NC


@functools.partial(
    pl.kernel,
    out_type=jax.ShapeDtypeStruct((NC, NP, D2), jnp.float32),
    mesh=_mesh,
    scratch_types=[
        pltpu.VMEM((C, K), jnp.int32),
        pltpu.VMEM((C, K), jnp.int32),
        [pltpu.VMEM((K, D2), jnp.float32)] * NBUF,
        [pltpu.SemaphoreType.DMA] * NBUF,
        pltpu.VMEM_SHARED((NP, D2), jnp.float32),
    ],
    compiler_params=pltpu.CompilerParams(use_tc_tiling_on_sc=False),
)
def _sc_agg(g_hbm, src_hbm, dst_hbm, z_hbm, acc_hbm,
            srcv, dstv, rows, sems, acc_sh):
    c = lax.axis_index("c")
    s = lax.axis_index("s")
    w = c * NS + s
    pltpu.sync_copy(src_hbm.at[w], srcv)
    pltpu.sync_copy(dst_hbm.at[s], dstv)

    pltpu.sync_copy(z_hbm, rows[0])
    for k in range(RPT // K):
        pltpu.sync_copy(rows[0], acc_sh.at[pl.ds(s * RPT + k * K, K)])
    plsc.subcore_barrier()

    for b in range(NBUF):
        pltpu.async_copy(g_hbm.at[srcv.at[b]], rows[b], sems[b])

    def outer(o, carry):
        for b in range(NBUF):
            ch = o * NBUF + b
            pltpu.make_async_copy(g_hbm.at[srcv.at[ch]], rows[b],
                                  sems[b]).wait()
            pltpu.sync_copy(rows[b], acc_sh.at[dstv.at[ch]], add=True)
            nxt = ch + NBUF

            @pl.when(nxt < C)
            def _():
                pltpu.async_copy(g_hbm.at[srcv.at[nxt]], rows[b], sems[b])
        return carry

    lax.fori_loop(0, C // NBUF, outer, 0)
    plsc.subcore_barrier()
    pltpu.sync_copy(acc_sh.at[pl.ds(s * RPT, RPT)],
                    acc_hbm.at[c, pl.ds(s * RPT, RPT)])


BN = NP // 16


def _scale_body(x_ref, cnt_ref, g_ref):
    dinv = lax.rsqrt(jnp.sum(cnt_ref[...], axis=0) + 1.0)
    gx = x_ref[...] * dinv
    g_ref[0] = gx[:, :D2]
    g_ref[1] = gx[:, D2:]


def _final_body(g_ref, acc_ref, cnt_ref, w_ref, b_ref, o_ref):
    dinv = lax.rsqrt(jnp.sum(cnt_ref[...], axis=0) + 1.0)
    a = jnp.concatenate([acc_ref[0], acc_ref[1]], axis=1)
    gg = jnp.concatenate([g_ref[0], g_ref[1]], axis=1)
    t = (gg + a) * dinv
    o_ref[...] = lax.dot_general(
        t, w_ref[...], (((1,), (1,)), ((), ())),
        preferred_element_type=jnp.float32,
        precision=jax.lax.Precision.HIGHEST) + b_ref[...]


def kernel(x, edge_index, W, b):
    pad = EP - E
    srcp = jnp.concatenate([edge_index[0], jnp.zeros((pad,), jnp.int32)])
    dstp = jnp.concatenate([edge_index[1], jnp.full((pad,), N, jnp.int32)])
    base = srcp.reshape(NS, C, K)
    src3 = jnp.concatenate([base, base + NP]).reshape(NW, C, K)
    dst3 = dstp.reshape(NS, C, K)
    dst2 = edge_index[1].reshape(NW, EPW)
    zeros = jnp.zeros((K, D2), jnp.float32)
    zflat = jnp.zeros((NP,), jnp.float32)
    xp = jnp.pad(x, ((0, NP - N), (0, 0)))

    cnt = _sc_count(dst2, zflat).reshape(NW, NP, 1)

    g = pl.pallas_call(
        _scale_body,
        grid=(NP // BN,),
        in_specs=[
            pl.BlockSpec((BN, D), lambda i: (i, 0)),
            pl.BlockSpec((NW, BN, 1), lambda i: (0, i, 0)),
        ],
        out_specs=pl.BlockSpec((NC, BN, D2), lambda i: (0, i, 0)),
        out_shape=jax.ShapeDtypeStruct((NC, NP, D2), jnp.float32),
    )(xp, cnt)

    acc = _sc_agg(g.reshape(NC * NP, D2), src3, dst3, zeros)

    out = pl.pallas_call(
        _final_body,
        grid=(NP // BN,),
        in_specs=[
            pl.BlockSpec((NC, BN, D2), lambda i: (0, i, 0)),
            pl.BlockSpec((NC, BN, D2), lambda i: (0, i, 0)),
            pl.BlockSpec((NW, BN, 1), lambda i: (0, i, 0)),
            pl.BlockSpec((D, D), lambda i: (0, 0)),
            pl.BlockSpec((1, D), lambda i: (0, 0)),
        ],
        out_specs=pl.BlockSpec((BN, D), lambda i: (i, 0)),
        out_shape=jax.ShapeDtypeStruct((NP, D), jnp.float32),
    )(g, acc, cnt, W, b.reshape(1, D))

    return out[:N]

# --- scband reference (transcript-rebuilt; emitter-appended) ---
"""Pipeline reference for scband-gcnconv-net-beta-22101901705658 (READ-ONLY COPY).

The authoritative reference and input builder live on the scoring server;
editing this copy changes nothing except your own understanding.
"""

import jax, jax.numpy as jnp
import numpy as np

N = 10000
E = 320000
D_IN = 128
D_OUT = 128


def setup_inputs(seed: int = 0) -> dict:
    key = jax.random.key(seed)
    k1, k2, k3, k4 = jax.random.split(key, 4)
    x = jax.random.normal(k1, (N, D_IN), dtype=jnp.float32)
    edge_index = jax.random.randint(k2, (2, E), 0, N, dtype=jnp.int32)
    # GCN layer parameters (glorot-style init)
    bound = 1.0 / np.sqrt(D_IN)
    W = jax.random.uniform(k3, (D_OUT, D_IN), dtype=jnp.float32, minval=-bound, maxval=bound)
    b = jax.random.uniform(k4, (D_OUT,), dtype=jnp.float32, minval=-bound, maxval=bound)
    return {"x": x, "edge_index": edge_index, "W": W, "b": b}


def reference(x, edge_index, W, b):
    # GCNConv: out = D^{-1/2} (A + I) D^{-1/2} (x W^T) + b
    src = edge_index[0]
    dst = edge_index[1]
    loop = jnp.arange(N, dtype=src.dtype)
    src = jnp.concatenate([src, loop])
    dst = jnp.concatenate([dst, loop])
    # degree (with self loops) computed on destination nodes
    deg = jnp.zeros((N,), dtype=jnp.float32).at[dst].add(1.0)
    dinv = jnp.where(deg > 0, jax.lax.rsqrt(deg), 0.0)
    norm = dinv[src] * dinv[dst]
    h = x @ W.T
    msg = jnp.take(h, src, axis=0) * norm[:, None]
    out = jnp.zeros((N, D_OUT), dtype=jnp.float32).at[dst].add(msg)
    return out + b

if __name__ == "__main__":
    import jax
    _d = setup_inputs()
    print(jax.jit(kernel)(*tuple(_d.values())))

</pallas_src>

<mosaic_0001>
#map = affine_map<(d0, d1) -> (0, 0)>
#map1 = affine_map<(d0, d1) -> (0)>
module attributes {stable_mosaic.version = 14 : i64} {
  func.func @_sc_count(%arg0: i32, %arg1: i32, %arg2: memref<32x10000xi32, #tpu.memory_space<hbm>>, %arg3: memref<10240xf32, #tpu.memory_space<hbm>>, %arg4: memref<32x10240xf32, #tpu.memory_space<hbm>>, %arg5: memref<10000xi32, #tpu.memory_space<vmem>>, %arg6: memref<10240xf32, #tpu.memory_space<vmem>>) attributes {dimension_semantics = [#tpu.dimension_semantics<core_parallel>, #tpu.dimension_semantics<subcore_parallel>], iteration_bounds = array<i64: 2, 16>, scalar_prefetch = 0 : i64, scratch_operands = 2 : i64, tpu.core_type = #tpu.core_type<sc_vector_subcore>, window_params = [{transform_indices = #map}, {transform_indices = #map1}, {transform_indices = #map}]} {
    %mul3A = arith.constant 16 : i32
    %mul3A_0 = arith.muli %arg0, %mul3A : i32
    %add3A = arith.addi %mul3A_0, %arg1 : i32
    "tpu.region"() ({
      %run_scoped3A = tpu.sem_alloc : memref<!tpu.dma_semaphore, #tpu.memory_space<semaphore_mem>>
      %dma_start3A = arith.constant 0 : i32
      %dma_start3A_7 = tpu.memref_slice %arg2[%add3A, %dma_start3A] : memref<32x10000xi32, #tpu.memory_space<hbm>> -> memref<1x10000xi32, #tpu.memory_space<hbm>>
      %dma_start3A_8 = tpu.memref_squeeze %dma_start3A_7 : memref<1x10000xi32, #tpu.memory_space<hbm>> -> memref<10000xi32, #tpu.memory_space<hbm>>
      %dma_start3A_9 = arith.constant 0 : i32
      %dma_start3A_10 = tpu.memref_slice %arg2[%add3A, %dma_start3A_9] : memref<32x10000xi32, #tpu.memory_space<hbm>> -> memref<1x10000xi32, #tpu.memory_space<hbm>>
      %dma_start3A_11 = tpu.memref_squeeze %dma_start3A_10 : memref<1x10000xi32, #tpu.memory_space<hbm>> -> memref<10000xi32, #tpu.memory_space<hbm>>
      tpu.enqueue_dma source(%dma_start3A_11 : memref<10000xi32, #tpu.memory_space<hbm>>) target(%arg5 : memref<10000xi32, #tpu.memory_space<vmem>>) target_semaphore(%run_scoped3A : memref<!tpu.dma_semaphore, #tpu.memory_space<semaphore_mem>>)
      %dma_wait3A = arith.constant 0 : i32
      %dma_wait3A_12 = tpu.memref_slice %arg2[%add3A, %dma_wait3A] : memref<32x10000xi32, #tpu.memory_space<hbm>> -> memref<1x10000xi32, #tpu.memory_space<hbm>>
      %dma_wait3A_13 = tpu.memref_squeeze %dma_wait3A_12 : memref<1x10000xi32, #tpu.memory_space<hbm>> -> memref<10000xi32, #tpu.memory_space<hbm>>
      %dma_wait3A_14 = arith.constant 0 : i32
      %dma_wait3A_15 = tpu.memref_slice %arg2[%add3A, %dma_wait3A_14] : memref<32x10000xi32, #tpu.memory_space<hbm>> -> memref<1x10000xi32, #tpu.memory_space<hbm>>
      %dma_wait3A_16 = tpu.memref_squeeze %dma_wait3A_15 : memref<1x10000xi32, #tpu.memory_space<hbm>> -> memref<10000xi32, #tpu.memory_space<hbm>>
      tpu.wait_dma2 semaphore(%run_scoped3A : memref<!tpu.dma_semaphore, #tpu.memory_space<semaphore_mem>>) src(%dma_wait3A_16 : memref<10000xi32, #tpu.memory_space<hbm>>) dst(%arg5 : memref<10000xi32, #tpu.memory_space<vmem>>)
      tpu.yield
    }) : () -> ()
    "tpu.region"() ({
      %run_scoped3A = tpu.sem_alloc : memref<!tpu.dma_semaphore, #tpu.memory_space<semaphore_mem>>
      tpu.enqueue_dma source(%arg3 : memref<10240xf32, #tpu.memory_space<hbm>>) target(%arg6 : memref<10240xf32, #tpu.memory_space<vmem>>) target_semaphore(%run_scoped3A : memref<!tpu.dma_semaphore, #tpu.memory_space<semaphore_mem>>)
      tpu.wait_dma2 semaphore(%run_scoped3A : memref<!tpu.dma_semaphore, #tpu.memory_space<semaphore_mem>>) src(%arg3 : memref<10240xf32, #tpu.memory_space<hbm>>) dst(%arg6 : memref<10240xf32, #tpu.memory_space<vmem>>)
      tpu.yield
    }) : () -> ()
    %broadcast_in_dim3A = arith.constant 1.000000e+00 : f32
    %broadcast_in_dim3A_1 = vector.broadcast %broadcast_in_dim3A : f32 to vector<16xf32>
    %scan3A = arith.constant 0 : i32
    %scan3A_2 = arith.constant 0 : i32
    %scan3A_3 = arith.constant 625 : i32
    %scan3A_4 = arith.addi %scan3A_2, %scan3A_3 : i32
    %scan3A_5 = arith.constant 1 : i32
    scf.for %scan3A_7 = %scan3A_2 to %scan3A_4 step %scan3A_5  : i32 {
      %mul3A_8 = arith.constant 16 : i32
      %mul3A_9 = arith.muli %scan3A_7, %mul3A_8 : i32
      %get3A = arith.index_cast %mul3A_9 : i32 to index
      %get3A_10 = tpu.vector_load %arg5[%get3A] {strides = array<i32>} : memref<10000xi32, #tpu.memory_space<vmem>>, vector<16xi32>,
      tpu.vector_store_idx %arg6[%get3A_10], %broadcast_in_dim3A_1 {add = true} : memref<10240xf32, #tpu.memory_space<vmem>>[vector<16xi32>], vector<16xf32>,
    }
    %scan3A_6 = arith.constant 625 : i32
    "tpu.region"() ({
      %run_scoped3A = tpu.sem_alloc : memref<!tpu.dma_semaphore, #tpu.memory_space<semaphore_mem>>
      %dma_start3A = arith.constant 0 : i32
      %dma_start3A_7 = tpu.memref_slice %arg4[%add3A, %dma_start3A] : memref<32x10240xf32, #tpu.memory_space<hbm>> -> memref<1x10240xf32, #tpu.memory_space<hbm>>
      %dma_start3A_8 = tpu.memref_squeeze %dma_start3A_7 : memref<1x10240xf32, #tpu.memory_space<hbm>> -> memref<10240xf32, #tpu.memory_space<hbm>>
      %dma_start3A_9 = arith.constant 0 : i32
      %dma_start3A_10 = tpu.memref_slice %arg4[%add3A, %dma_start3A_9] : memref<32x10240xf32, #tpu.memory_space<hbm>> -> memref<1x10240xf32, #tpu.memory_space<hbm>>
      %dma_start3A_11 = tpu.memref_squeeze %dma_start3A_10 : memref<1x10240xf32, #tpu.memory_space<hbm>> -> memref<10240xf32, #tpu.memory_space<hbm>>
      tpu.enqueue_dma source(%arg6 : memref<10240xf32, #tpu.memory_space<vmem>>) target(%dma_start3A_11 : memref<10240xf32, #tpu.memory_space<hbm>>) target_semaphore(%run_scoped3A : memref<!tpu.dma_semaphore, #tpu.memory_space<semaphore_mem>>)
      %dma_wait3A = arith.constant 0 : i32
      %dma_wait3A_12 = tpu.memref_slice %arg4[%add3A, %dma_wait3A] : memref<32x10240xf32, #tpu.memory_space<hbm>> -> memref<1x10240xf32, #tpu.memory_space<hbm>>
      %dma_wait3A_13 = tpu.memref_squeeze %dma_wait3A_12 : memref<1x10240xf32, #tpu.memory_space<hbm>> -> memref<10240xf32, #tpu.memory_space<hbm>>
      %dma_wait3A_14 = arith.constant 0 : i32
      %dma_wait3A_15 = tpu.memref_slice %arg4[%add3A, %dma_wait3A_14] : memref<32x10240xf32, #tpu.memory_space<hbm>> -> memref<1x10240xf32, #tpu.memory_space<hbm>>
      %dma_wait3A_16 = tpu.memref_squeeze %dma_wait3A_15 : memref<1x10240xf32, #tpu.memory_space<hbm>> -> memref<10240xf32, #tpu.memory_space<hbm>>
      tpu.wait_dma2 semaphore(%run_scoped3A : memref<!tpu.dma_semaphore, #tpu.memory_space<semaphore_mem>>) src(%arg6 : memref<10240xf32, #tpu.memory_space<vmem>>) dst(%dma_wait3A_16 : memref<10240xf32, #tpu.memory_space<hbm>>)
      tpu.yield
    }) : () -> ()
    return
  }
}

#map = affine_map<(d0, d1) -> (0, 0)>
#map1 = affine_map<(d0, d1) -> (0, 0, 0)>
module attributes {stable_mosaic.version = 14 : i64} {
  func.func @_sc_agg(%arg0: i32, %arg1: i32, %arg2: memref<20480x64xf32, #tpu.memory_space<hbm>>, %arg3: memref<32x160x128xi32, #tpu.memory_space<hbm>>, %arg4: memref<16x160x128xi32, #tpu.memory_space<hbm>>, %arg5: memref<128x64xf32, #tpu.memory_space<hbm>>, %arg6: memref<2x10240x64xf32, #tpu.memory_space<hbm>>, %arg7: memref<160x128xi32, #tpu.memory_space<vmem>>, %arg8: memref<160x128xi32, #tpu.memory_space<vmem>>, %arg9: memref<128x64xf32, #tpu.memory_space<vmem>>, %arg10: memref<128x64xf32, #tpu.memory_space<vmem>>, %arg11: memref<128x64xf32, #tpu.memory_space<vmem>>, %arg12: memref<128x64xf32, #tpu.memory_space<vmem>>, %arg13: memref<128x64xf32, #tpu.memory_space<vmem>>, %arg14: memref<!tpu.dma_semaphore, #tpu.memory_space<semaphore_mem>>, %arg15: memref<!tpu.dma_semaphore, #tpu.memory_space<semaphore_mem>>, %arg16: memref<!tpu.dma_semaphore, #tpu.memory_space<semaphore_mem>>, %arg17: memref<!tpu.dma_semaphore, #tpu.memory_space<semaphore_mem>>, %arg18: memref<!tpu.dma_semaphore, #tpu.memory_space<semaphore_mem>>, %arg19: memref<10240x64xf32, #tpu.memory_space<vmem_shared>>) attributes {dimension_semantics = [#tpu.dimension_semantics<core_parallel>, #tpu.dimension_semantics<subcore_parallel>], iteration_bounds = array<i64: 2, 16>, scalar_prefetch = 0 : i64, scratch_operands = 13 : i64, tpu.core_type = #tpu.core_type<sc_vector_subcore>, window_params = [{transform_indices = #map}, {transform_indices = #map1}, {transform_indices = #map1}, {transform_indices = #map}, {transform_indices = #map1}]} {
    %mul3A = arith.constant 16 : i32
    %mul3A_0 = arith.muli %arg0, %mul3A : i32
    %add3A = arith.addi %mul3A_0, %arg1 : i32
    "tpu.region"() ({
      %run_scoped3A = tpu.sem_alloc : memref<!tpu.dma_semaphore, #tpu.memory_space<semaphore_mem>>
      %dma_start3A_65 = arith.constant 0 : i32
      %dma_start3A_66 = arith.constant 0 : i32
      %dma_start3A_67 = tpu.memref_slice %arg3[%add3A, %dma_start3A_65, %dma_start3A_66] : memref<32x160x128xi32, #tpu.memory_space<hbm>> -> memref<1x160x128xi32, #tpu.memory_space<hbm>>
      %dma_start3A_68 = tpu.memref_squeeze %dma_start3A_67 : memref<1x160x128xi32, #tpu.memory_space<hbm>> -> memref<160x128xi32, #tpu.memory_space<hbm>>
      %dma_start3A_69 = arith.constant 0 : i32
      %dma_start3A_70 = arith.constant 0 : i32
      %dma_start3A_71 = tpu.memref_slice %arg3[%add3A, %dma_start3A_69, %dma_start3A_70] : memref<32x160x128xi32, #tpu.memory_space<hbm>> -> memref<1x160x128xi32, #tpu.memory_space<hbm>>
      %dma_start3A_72 = tpu.memref_squeeze %dma_start3A_71 : memref<1x160x128xi32, #tpu.memory_space<hbm>> -> memref<160x128xi32, #tpu.memory_space<hbm>>
      tpu.enqueue_dma source(%dma_start3A_72 : memref<160x128xi32, #tpu.memory_space<hbm>>) target(%arg7 : memref<160x128xi32, #tpu.memory_space<vmem>>) target_semaphore(%run_scoped3A : memref<!tpu.dma_semaphore, #tpu.memory_space<semaphore_mem>>)
      %dma_wait3A = arith.constant 0 : i32
      %dma_wait3A_73 = arith.constant 0 : i32
      %dma_wait3A_74 = tpu.memref_slice %arg3[%add3A, %dma_wait3A, %dma_wait3A_73] : memref<32x160x128xi32, #tpu.memory_space<hbm>> -> memref<1x160x128xi32, #tpu.memory_space<hbm>>
      %dma_wait3A_75 = tpu.memref_squeeze %dma_wait3A_74 : memref<1x160x128xi32, #tpu.memory_space<hbm>> -> memref<160x128xi32, #tpu.memory_space<hbm>>
      %dma_wait3A_76 = arith.constant 0 : i32
      %dma_wait3A_77 = arith.constant 0 : i32
      %dma_wait3A_78 = tpu.memref_slice %arg3[%add3A, %dma_wait3A_76, %dma_wait3A_77] : memref<32x160x128xi32, #tpu.memory_space<hbm>> -> memref<1x160x128xi32, #tpu.memory_space<hbm>>
      %dma_wait3A_79 = tpu.memref_squeeze %dma_wait3A_78 : memref<1x160x128xi32, #tpu.memory_space<hbm>> -> memref<160x128xi32, #tpu.memory_space<hbm>>
      tpu.wait_dma2 semaphore(%run_scoped3A : memref<!tpu.dma_semaphore, #tpu.memory_space<semaphore_mem>>) src(%dma_wait3A_79 : memref<160x128xi32, #tpu.memory_space<hbm>>) dst(%arg7 : memref<160x128xi32, #tpu.memory_space<vmem>>)
      tpu.yield
    }) : () -> ()
    "tpu.region"() ({
      %run_scoped3A = tpu.sem_alloc : memref<!tpu.dma_semaphore, #tpu.memory_space<semaphore_mem>>
      %dma_start3A_65 = arith.constant 0 : i32
      %dma_start3A_66 = arith.constant 0 : i32
      %dma_start3A_67 = tpu.memref_slice %arg4[%arg1, %dma_start3A_65, %dma_start3A_66] : memref<16x160x128xi32, #tpu.memory_space<hbm>> -> memref<1x160x128xi32, #tpu.memory_space<hbm>>
      %dma_start3A_68 = tpu.memref_squeeze %dma_start3A_67 : memref<1x160x128xi32, #tpu.memory_space<hbm>> -> memref<160x128xi32, #tpu.memory_space<hbm>>
      %dma_start3A_69 = arith.constant 0 : i32
      %dma_start3A_70 = arith.constant 0 : i32
      %dma_start3A_71 = tpu.memref_slice %arg4[%arg1, %dma_start3A_69, %dma_start3A_70] : memref<16x160x128xi32, #tpu.memory_space<hbm>> -> memref<1x160x128xi32, #tpu.memory_space<hbm>>
      %dma_start3A_72 = tpu.memref_squeeze %dma_start3A_71 : memref<1x160x128xi32, #tpu.memory_space<hbm>> -> memref<160x128xi32, #tpu.memory_space<hbm>>
      tpu.enqueue_dma source(%dma_start3A_72 : memref<160x128xi32, #tpu.memory_space<hbm>>) target(%arg8 : memref<160x128xi32, #tpu.memory_space<vmem>>) target_semaphore(%run_scoped3A : memref<!tpu.dma_semaphore, #tpu.memory_space<semaphore_mem>>)
      %dma_wait3A = arith.constant 0 : i32
      %dma_wait3A_73 = arith.constant 0 : i32
      %dma_wait3A_74 = tpu.memref_slice %arg4[%arg1, %dma_wait3A, %dma_wait3A_73] : memref<16x160x128xi32, #tpu.memory_space<hbm>> -> memref<1x160x128xi32, #tpu.memory_space<hbm>>
      %dma_wait3A_75 = tpu.memref_squeeze %dma_wait3A_74 : memref<1x160x128xi32, #tpu.memory_space<hbm>> -> memref<160x128xi32, #tpu.memory_space<hbm>>
      %dma_wait3A_76 = arith.constant 0 : i32
      %dma_wait3A_77 = arith.constant 0 : i32
      %dma_wait3A_78 = tpu.memref_slice %arg4[%arg1, %dma_wait3A_76, %dma_wait3A_77] : memref<16x160x128xi32, #tpu.memory_space<hbm>> -> memref<1x160x128xi32, #tpu.memory_space<hbm>>
      %dma_wait3A_79 = tpu.memref_squeeze %dma_wait3A_78 : memref<1x160x128xi32, #tpu.memory_space<hbm>> -> memref<160x128xi32, #tpu.memory_space<hbm>>
      tpu.wait_dma2 semaphore(%run_scoped3A : memref<!tpu.dma_semaphore, #tpu.memory_space<semaphore_mem>>) src(%dma_wait3A_79 : memref<160x128xi32, #tpu.memory_space<hbm>>) dst(%arg8 : memref<160x128xi32, #tpu.memory_space<vmem>>)
      tpu.yield
    }) : () -> ()
    "tpu.region"() ({
      %run_scoped3A = tpu.sem_alloc : memref<!tpu.dma_semaphore, #tpu.memory_space<semaphore_mem>>
      tpu.enqueue_dma source(%arg5 : memref<128x64xf32, #tpu.memory_space<hbm>>) target(%arg9 : memref<128x64xf32, #tpu.memory_space<vmem>>) target_semaphore(%run_scoped3A : memref<!tpu.dma_semaphore, #tpu.memory_space<semaphore_mem>>)
      tpu.wait_dma2 semaphore(%run_scoped3A : memref<!tpu.dma_semaphore, #tpu.memory_space<semaphore_mem>>) src(%arg5 : memref<128x64xf32, #tpu.memory_space<hbm>>) dst(%arg9 : memref<128x64xf32, #tpu.memory_space<vmem>>)
      tpu.yield
    }) : () -> ()
    %mul3A_1 = arith.constant 640 : i32
    %mul3A_2 = arith.muli %arg1, %mul3A_1 : i32
    %add3A_3 = arith.constant 0 : i32
    %add3A_4 = arith.addi %mul3A_2, %add3A_3 : i32
    "tpu.region"() ({
      %run_scoped3A = tpu.sem_alloc : memref<!tpu.dma_semaphore, #tpu.memory_space<semaphore_mem>>
      %dma_start3A_65 = arith.constant 0 : i32
      %dma_start3A_66 = tpu.memref_slice %arg19[%add3A_4, %dma_start3A_65] : memref<10240x64xf32, #tpu.memory_space<vmem_shared>> -> memref<128x64xf32, #tpu.memory_space<vmem_shared>>
      %dma_start3A_67 = arith.constant 0 : i32
      %dma_start3A_68 = tpu.memref_slice %arg19[%add3A_4, %dma_start3A_67] : memref<10240x64xf32, #tpu.memory_space<vmem_shared>> -> memref<128x64xf32, #tpu.memory_space<vmem_shared>>
      tpu.enqueue_dma source(%arg9 : memref<128x64xf32, #tpu.memory_space<vmem>>) target(%dma_start3A_68 : memref<128x64xf32, #tpu.memory_space<vmem_shared>>) target_semaphore(%run_scoped3A : memref<!tpu.dma_semaphore, #tpu.memory_space<semaphore_mem>>)
      %dma_wait3A = arith.constant 0 : i32
      %dma_wait3A_69 = tpu.memref_slice %arg19[%add3A_4, %dma_wait3A] : memref<10240x64xf32, #tpu.memory_space<vmem_shared>> -> memref<128x64xf32, #tpu.memory_space<vmem_shared>>
      %dma_wait3A_70 = arith.constant 0 : i32
      %dma_wait3A_71 = tpu.memref_slice %arg19[%add3A_4, %dma_wait3A_70] : memref<10240x64xf32, #tpu.memory_space<vmem_shared>> -> memref<128x64xf32, #tpu.memory_space<vmem_shared>>
      tpu.wait_dma2 semaphore(%run_scoped3A : memref<!tpu.dma_semaphore, #tpu.memory_space<semaphore_mem>>) src(%arg9 : memref<128x64xf32, #tpu.memory_space<vmem>>) dst(%dma_wait3A_71 : memref<128x64xf32, #tpu.memory_space<vmem_shared>>)
      tpu.yield
    }) : () -> ()
    %mul3A_5 = arith.constant 640 : i32
    %mul3A_6 = arith.muli %arg1, %mul3A_5 : i32
    %add3A_7 = arith.constant 128 : i32
    %add3A_8 = arith.addi %mul3A_6, %add3A_7 : i32
    "tpu.region"() ({
      %run_scoped3A = tpu.sem_alloc : memref<!tpu.dma_semaphore, #tpu.memory_space<semaphore_mem>>
      %dma_start3A_65 = arith.constant 0 : i32
      %dma_start3A_66 = tpu.memref_slice %arg19[%add3A_8, %dma_start3A_65] : memref<10240x64xf32, #tpu.memory_space<vmem_shared>> -> memref<128x64xf32, #tpu.memory_space<vmem_shared>>
      %dma_start3A_67 = arith.constant 0 : i32
      %dma_start3A_68 = tpu.memref_slice %arg19[%add3A_8, %dma_start3A_67] : memref<10240x64xf32, #tpu.memory_space<vmem_shared>> -> memref<128x64xf32, #tpu.memory_space<vmem_shared>>
      tpu.enqueue_dma source(%arg9 : memref<128x64xf32, #tpu.memory_space<vmem>>) target(%dma_start3A_68 : memref<128x64xf32, #tpu.memory_space<vmem_shared>>) target_semaphore(%run_scoped3A : memref<!tpu.dma_semaphore, #tpu.memory_space<semaphore_mem>>)
      %dma_wait3A = arith.constant 0 : i32
      %dma_wait3A_69 = tpu.memref_slice %arg19[%add3A_8, %dma_wait3A] : memref<10240x64xf32, #tpu.memory_space<vmem_shared>> -> memref<128x64xf32, #tpu.memory_space<vmem_shared>>
      %dma_wait3A_70 = arith.constant 0 : i32
      %dma_wait3A_71 = tpu.memref_slice %arg19[%add3A_8, %dma_wait3A_70] : memref<10240x64xf32, #tpu.memory_space<vmem_shared>> -> memref<128x64xf32, #tpu.memory_space<vmem_shared>>
      tpu.wait_dma2 semaphore(%run_scoped3A : memref<!tpu.dma_semaphore, #tpu.memory_space<semaphore_mem>>) src(%arg9 : memref<128x64xf32, #tpu.memory_space<vmem>>) dst(%dma_wait3A_71 : memref<128x64xf32, #tpu.memory_space<vmem_shared>>)
      tpu.yield
    }) : () -> ()
    %mul3A_9 = arith.constant 640 : i32
    %mul3A_10 = arith.muli %arg1, %mul3A_9 : i32
    %add3A_11 = arith.constant 256 : i32
    %add3A_12 = arith.addi %mul3A_10, %add3A_11 : i32
    "tpu.region"() ({
      %run_scoped3A = tpu.sem_alloc : memref<!tpu.dma_semaphore, #tpu.memory_space<semaphore_mem>>
      %dma_start3A_65 = arith.constant 0 : i32
      %dma_start3A_66 = tpu.memref_slice %arg19[%add3A_12, %dma_start3A_65] : memref<10240x64xf32, #tpu.memory_space<vmem_shared>> -> memref<128x64xf32, #tpu.memory_space<vmem_shared>>
      %dma_start3A_67 = arith.constant 0 : i32
      %dma_start3A_68 = tpu.memref_slice %arg19[%add3A_12, %dma_start3A_67] : memref<10240x64xf32, #tpu.memory_space<vmem_shared>> -> memref<128x64xf32, #tpu.memory_space<vmem_shared>>
      tpu.enqueue_dma source(%arg9 : memref<128x64xf32, #tpu.memory_space<vmem>>) target(%dma_start3A_68 : memref<128x64xf32, #tpu.memory_space<vmem_shared>>) target_semaphore(%run_scoped3A : memref<!tpu.dma_semaphore, #tpu.memory_space<semaphore_mem>>)
      %dma_wait3A = arith.constant 0 : i32
      %dma_wait3A_69 = tpu.memref_slice %arg19[%add3A_12, %dma_wait3A] : memref<10240x64xf32, #tpu.memory_space<vmem_shared>> -> memref<128x64xf32, #tpu.memory_space<vmem_shared>>
      %dma_wait3A_70 = arith.constant 0 : i32
      %dma_wait3A_71 = tpu.memref_slice %arg19[%add3A_12, %dma_wait3A_70] : memref<10240x64xf32, #tpu.memory_space<vmem_shared>> -> memref<128x64xf32, #tpu.memory_space<vmem_shared>>
      tpu.wait_dma2 semaphore(%run_scoped3A : memref<!tpu.dma_semaphore, #tpu.memory_space<semaphore_mem>>) src(%arg9 : memref<128x64xf32, #tpu.memory_space<vmem>>) dst(%dma_wait3A_71 : memref<128x64xf32, #tpu.memory_space<vmem_shared>>)
      tpu.yield
    }) : () -> ()
    %mul3A_13 = arith.constant 640 : i32
    %mul3A_14 = arith.muli %arg1, %mul3A_13 : i32
    %add3A_15 = arith.constant 384 : i32
    %add3A_16 = arith.addi %mul3A_14, %add3A_15 : i32
    "tpu.region"() ({
      %run_scoped3A = tpu.sem_alloc : memref<!tpu.dma_semaphore, #tpu.memory_space<semaphore_mem>>
      %dma_start3A_65 = arith.constant 0 : i32
      %dma_start3A_66 = tpu.memref_slice %arg19[%add3A_16, %dma_start3A_65] : memref<10240x64xf32, #tpu.memory_space<vmem_shared>> -> memref<128x64xf32, #tpu.memory_space<vmem_shared>>
      %dma_start3A_67 = arith.constant 0 : i32
      %dma_start3A_68 = tpu.memref_slice %arg19[%add3A_16, %dma_start3A_67] : memref<10240x64xf32, #tpu.memory_space<vmem_shared>> -> memref<128x64xf32, #tpu.memory_space<vmem_shared>>
      tpu.enqueue_dma source(%arg9 : memref<128x64xf32, #tpu.memory_space<vmem>>) target(%dma_start3A_68 : memref<128x64xf32, #tpu.memory_space<vmem_shared>>) target_semaphore(%run_scoped3A : memref<!tpu.dma_semaphore, #tpu.memory_space<semaphore_mem>>)
      %dma_wait3A = arith.constant 0 : i32
      %dma_wait3A_69 = tpu.memref_slice %arg19[%add3A_16, %dma_wait3A] : memref<10240x64xf32, #tpu.memory_space<vmem_shared>> -> memref<128x64xf32, #tpu.memory_space<vmem_shared>>
      %dma_wait3A_70 = arith.constant 0 : i32
      %dma_wait3A_71 = tpu.memref_slice %arg19[%add3A_16, %dma_wait3A_70] : memref<10240x64xf32, #tpu.memory_space<vmem_shared>> -> memref<128x64xf32, #tpu.memory_space<vmem_shared>>
      tpu.wait_dma2 semaphore(%run_scoped3A : memref<!tpu.dma_semaphore, #tpu.memory_space<semaphore_mem>>) src(%arg9 : memref<128x64xf32, #tpu.memory_space<vmem>>) dst(%dma_wait3A_71 : memref<128x64xf32, #tpu.memory_space<vmem_shared>>)
      tpu.yield
    }) : () -> ()
    %mul3A_17 = arith.constant 640 : i32
    %mul3A_18 = arith.muli %arg1, %mul3A_17 : i32
    %add3A_19 = arith.constant 512 : i32
    %add3A_20 = arith.addi %mul3A_18, %add3A_19 : i32
    "tpu.region"() ({
      %run_scoped3A = tpu.sem_alloc : memref<!tpu.dma_semaphore, #tpu.memory_space<semaphore_mem>>
      %dma_start3A_65 = arith.constant 0 : i32
      %dma_start3A_66 = tpu.memref_slice %arg19[%add3A_20, %dma_start3A_65] : memref<10240x64xf32, #tpu.memory_space<vmem_shared>> -> memref<128x64xf32, #tpu.memory_space<vmem_shared>>
      %dma_start3A_67 = arith.constant 0 : i32
      %dma_start3A_68 = tpu.memref_slice %arg19[%add3A_20, %dma_start3A_67] : memref<10240x64xf32, #tpu.memory_space<vmem_shared>> -> memref<128x64xf32, #tpu.memory_space<vmem_shared>>
      tpu.enqueue_dma source(%arg9 : memref<128x64xf32, #tpu.memory_space<vmem>>) target(%dma_start3A_68 : memref<128x64xf32, #tpu.memory_space<vmem_shared>>) target_semaphore(%run_scoped3A : memref<!tpu.dma_semaphore, #tpu.memory_space<semaphore_mem>>)
      %dma_wait3A = arith.constant 0 : i32
      %dma_wait3A_69 = tpu.memref_slice %arg19[%add3A_20, %dma_wait3A] : memref<10240x64xf32, #tpu.memory_space<vmem_shared>> -> memref<128x64xf32, #tpu.memory_space<vmem_shared>>
      %dma_wait3A_70 = arith.constant 0 : i32
      %dma_wait3A_71 = tpu.memref_slice %arg19[%add3A_20, %dma_wait3A_70] : memref<10240x64xf32, #tpu.memory_space<vmem_shared>> -> memref<128x64xf32, #tpu.memory_space<vmem_shared>>
      tpu.wait_dma2 semaphore(%run_scoped3A : memref<!tpu.dma_semaphore, #tpu.memory_space<semaphore_mem>>) src(%arg9 : memref<128x64xf32, #tpu.memory_space<vmem>>) dst(%dma_wait3A_71 : memref<128x64xf32, #tpu.memory_space<vmem_shared>>)
      tpu.yield
    }) : () -> ()
    %barrier3A = arith.constant 0 : index
    tpu.barrier barrier_id(%barrier3A)
    %dma_start3A = arith.constant 0 : i32
    %dma_start3A_21 = arith.constant 0 : i32
    %dma_start3A_22 = tpu.memref_slice %arg7[%dma_start3A, %dma_start3A_21] : memref<160x128xi32, #tpu.memory_space<vmem>> -> memref<1x128xi32, #tpu.memory_space<vmem>>
    %dma_start3A_23 = tpu.memref_squeeze %dma_start3A_22 : memref<1x128xi32, #tpu.memory_space<vmem>> -> memref<128xi32, #tpu.memory_space<vmem>>
    %dma_start3A_24 = arith.constant 0 : i32
    %dma_start3A_25 = arith.constant 0 : i32
    %dma_start3A_26 = tpu.memref_slice %arg2[%dma_start3A_24, %dma_start3A_25] : memref<20480x64xf32, #tpu.memory_space<hbm>> -> memref<20480x64xf32, #tpu.memory_space<hbm>>
    tpu.enqueue_indirect_dma source(%dma_start3A_26 : memref<20480x64xf32, #tpu.memory_space<hbm>>) target(%arg9 : memref<128x64xf32, #tpu.memory_space<vmem>>) offsets(%dma_start3A_23 : memref<128xi32, #tpu.memory_space<vmem>>) semaphore(%arg14 : memref<!tpu.dma_semaphore, #tpu.memory_space<semaphore_mem>>)
    %dma_start3A_27 = arith.constant 1 : i32
    %dma_start3A_28 = arith.constant 0 : i32
    %dma_start3A_29 = tpu.memref_slice %arg7[%dma_start3A_27, %dma_start3A_28] : memref<160x128xi32, #tpu.memory_space<vmem>> -> memref<1x128xi32, #tpu.memory_space<vmem>>
    %dma_start3A_30 = tpu.memref_squeeze %dma_start3A_29 : memref<1x128xi32, #tpu.memory_space<vmem>> -> memref<128xi32, #tpu.memory_space<vmem>>
    %dma_start3A_31 = arith.constant 0 : i32
    %dma_start3A_32 = arith.constant 0 : i32
    %dma_start3A_33 = tpu.memref_slice %arg2[%dma_start3A_31, %dma_start3A_32] : memref<20480x64xf32, #tpu.memory_space<hbm>> -> memref<20480x64xf32, #tpu.memory_space<hbm>>
    tpu.enqueue_indirect_dma source(%dma_start3A_33 : memref<20480x64xf32, #tpu.memory_space<hbm>>) target(%arg10 : memref<128x64xf32, #tpu.memory_space<vmem>>) offsets(%dma_start3A_30 : memref<128xi32, #tpu.memory_space<vmem>>) semaphore(%arg15 : memref<!tpu.dma_semaphore, #tpu.memory_space<semaphore_mem>>)
    %dma_start3A_34 = arith.constant 2 : i32
    %dma_start3A_35 = arith.constant 0 : i32
    %dma_start3A_36 = tpu.memref_slice %arg7[%dma_start3A_34, %dma_start3A_35] : memref<160x128xi32, #tpu.memory_space<vmem>> -> memref<1x128xi32, #tpu.memory_space<vmem>>
    %dma_start3A_37 = tpu.memref_squeeze %dma_start3A_36 : memref<1x128xi32, #tpu.memory_space<vmem>> -> memref<128xi32, #tpu.memory_space<vmem>>
    %dma_start3A_38 = arith.constant 0 : i32
    %dma_start3A_39 = arith.constant 0 : i32
    %dma_start3A_40 = tpu.memref_slice %arg2[%dma_start3A_38, %dma_start3A_39] : memref<20480x64xf32, #tpu.memory_space<hbm>> -> memref<20480x64xf32, #tpu.memory_space<hbm>>
    tpu.enqueue_indirect_dma source(%dma_start3A_40 : memref<20480x64xf32, #tpu.memory_space<hbm>>) target(%arg11 : memref<128x64xf32, #tpu.memory_space<vmem>>) offsets(%dma_start3A_37 : memref<128xi32, #tpu.memory_space<vmem>>) semaphore(%arg16 : memref<!tpu.dma_semaphore, #tpu.memory_space<semaphore_mem>>)
    %dma_start3A_41 = arith.constant 3 : i32
    %dma_start3A_42 = arith.constant 0 : i32
    %dma_start3A_43 = tpu.memref_slice %arg7[%dma_start3A_41, %dma_start3A_42] : memref<160x128xi32, #tpu.memory_space<vmem>> -> memref<1x128xi32, #tpu.memory_space<vmem>>
    %dma_start3A_44 = tpu.memref_squeeze %dma_start3A_43 : memref<1x128xi32, #tpu.memory_space<vmem>> -> memref<128xi32, #tpu.memory_space<vmem>>
    %dma_start3A_45 = arith.constant 0 : i32
    %dma_start3A_46 = arith.constant 0 : i32
    %dma_start3A_47 = tpu.memref_slice %arg2[%dma_start3A_45, %dma_start3A_46] : memref<20480x64xf32, #tpu.memory_space<hbm>> -> memref<20480x64xf32, #tpu.memory_space<hbm>>
    tpu.enqueue_indirect_dma source(%dma_start3A_47 : memref<20480x64xf32, #tpu.memory_space<hbm>>) target(%arg12 : memref<128x64xf32, #tpu.memory_space<vmem>>) offsets(%dma_start3A_44 : memref<128xi32, #tpu.memory_space<vmem>>) semaphore(%arg17 : memref<!tpu.dma_semaphore, #tpu.memory_space<semaphore_mem>>)
    %dma_start3A_48 = arith.constant 4 : i32
    %dma_start3A_49 = arith.constant 0 : i32
    %dma_start3A_50 = tpu.memref_slice %arg7[%dma_start3A_48, %dma_start3A_49] : memref<160x128xi32, #tpu.memory_space<vmem>> -> memref<1x128xi32, #tpu.memory_space<vmem>>
    %dma_start3A_51 = tpu.memref_squeeze %dma_start3A_50 : memref<1x128xi32, #tpu.memory_space<vmem>> -> memref<128xi32, #tpu.memory_space<vmem>>
    %dma_start3A_52 = arith.constant 0 : i32
    %dma_start3A_53 = arith.constant 0 : i32
    %dma_start3A_54 = tpu.memref_slice %arg2[%dma_start3A_52, %dma_start3A_53] : memref<20480x64xf32, #tpu.memory_space<hbm>> -> memref<20480x64xf32, #tpu.memory_space<hbm>>
    tpu.enqueue_indirect_dma source(%dma_start3A_54 : memref<20480x64xf32, #tpu.memory_space<hbm>>) target(%arg13 : memref<128x64xf32, #tpu.memory_space<vmem>>) offsets(%dma_start3A_51 : memref<128xi32, #tpu.memory_space<vmem>>) semaphore(%arg18 : memref<!tpu.dma_semaphore, #tpu.memory_space<semaphore_mem>>)
    %scan3A = arith.constant 0 : i32
    %scan3A_55 = arith.constant 0 : i32
    %scan3A_56 = arith.constant 32 : i32
    %scan3A_57 = arith.addi %scan3A_55, %scan3A_56 : i32
    %scan3A_58 = arith.constant 1 : i32
    scf.for %scan3A_65 = %scan3A_55 to %scan3A_57 step %scan3A_58  : i32 {
      %mul3A_66 = arith.constant 5 : i32
      %mul3A_67 = arith.muli %scan3A_65, %mul3A_66 : i32
      %add3A_68 = arith.constant 0 : i32
      %add3A_69 = arith.addi %mul3A_67, %add3A_68 : i32
      %dma_wait3A = arith.constant 0 : i32
      %dma_wait3A_70 = tpu.memref_slice %arg7[%add3A_69, %dma_wait3A] : memref<160x128xi32, #tpu.memory_space<vmem>> -> memref<1x128xi32, #tpu.memory_space<vmem>>
      %dma_wait3A_71 = tpu.memref_squeeze %dma_wait3A_70 : memref<1x128xi32, #tpu.memory_space<vmem>> -> memref<128xi32, #tpu.memory_space<vmem>>
      %dma_wait3A_72 = arith.constant 0 : i32
      %dma_wait3A_73 = arith.constant 0 : i32
      %dma_wait3A_74 = tpu.memref_slice %arg2[%dma_wait3A_72, %dma_wait3A_73] : memref<20480x64xf32, #tpu.memory_space<hbm>> -> memref<20480x64xf32, #tpu.memory_space<hbm>>
      tpu.wait_indirect_dma semaphore(%arg14 : memref<!tpu.dma_semaphore, #tpu.memory_space<semaphore_mem>>) src(%dma_wait3A_74 : memref<20480x64xf32, #tpu.memory_space<hbm>>) dst(%arg9 : memref<128x64xf32, #tpu.memory_space<vmem>>)
      "tpu.region"() ({
        %run_scoped3A = tpu.sem_alloc : memref<!tpu.dma_semaphore, #tpu.memory_space<semaphore_mem>>
        %dma_start3A_147 = arith.constant 0 : i32
        %dma_start3A_148 = tpu.memref_slice %arg8[%add3A_69, %dma_start3A_147] : memref<160x128xi32, #tpu.memory_space<vmem>> -> memref<1x128xi32, #tpu.memory_space<vmem>>
        %dma_start3A_149 = tpu.memref_squeeze %dma_start3A_148 : memref<1x128xi32, #tpu.memory_space<vmem>> -> memref<128xi32, #tpu.memory_space<vmem>>
        %dma_start3A_150 = arith.constant 0 : i32
        %dma_start3A_151 = arith.constant 0 : i32
        %dma_start3A_152 = tpu.memref_slice %arg19[%dma_start3A_150, %dma_start3A_151] : memref<10240x64xf32, #tpu.memory_space<vmem_shared>> -> memref<10240x64xf32, #tpu.memory_space<vmem_shared>>
        tpu.enqueue_indirect_dma source(%arg9 : memref<128x64xf32, #tpu.memory_space<vmem>>) target(%dma_start3A_152 : memref<10240x64xf32, #tpu.memory_space<vmem_shared>>) offsets(%dma_start3A_149 : memref<128xi32, #tpu.memory_space<vmem>>) semaphore(%run_scoped3A : memref<!tpu.dma_semaphore, #tpu.memory_space<semaphore_mem>>) {add = true}
        %dma_wait3A_153 = arith.constant 0 : i32
        %dma_wait3A_154 = tpu.memref_slice %arg8[%add3A_69, %dma_wait3A_153] : memref<160x128xi32, #tpu.memory_space<vmem>> -> memref<1x128xi32, #tpu.memory_space<vmem>>
        %dma_wait3A_155 = tpu.memref_squeeze %dma_wait3A_154 : memref<1x128xi32, #tpu.memory_space<vmem>> -> memref<128xi32, #tpu.memory_space<vmem>>
        %dma_wait3A_156 = arith.constant 0 : i32
        %dma_wait3A_157 = arith.constant 0 : i32
        %dma_wait3A_158 = tpu.memref_slice %arg19[%dma_wait3A_156, %dma_wait3A_157] : memref<10240x64xf32, #tpu.memory_space<vmem_shared>> -> memref<10240x64xf32, #tpu.memory_space<vmem_shared>>
        tpu.wait_indirect_dma semaphore(%run_scoped3A : memref<!tpu.dma_semaphore, #tpu.memory_space<semaphore_mem>>) src(%arg9 : memref<128x64xf32, #tpu.memory_space<vmem>>) dst(%dma_wait3A_158 : memref<10240x64xf32, #tpu.memory_space<vmem_shared>>)
        tpu.yield
      }) : () -> ()
      %add3A_75 = arith.constant 5 : i32
      %add3A_76 = arith.addi %add3A_69, %add3A_75 : i32
      %lt3A = arith.constant 160 : i32
      %lt3A_77 = arith.cmpi slt, %add3A_76, %lt3A : i32
      %convert_element_type3A = arith.extui %lt3A_77 : i1 to i32
      %cond3A = arith.constant 0 : i32
      %cond3A_78 = arith.cmpi ne, %convert_element_type3A, %cond3A : i32
      scf.if %cond3A_78 {
        %dma_start3A_147 = arith.constant 0 : i32
        %dma_start3A_148 = tpu.memref_slice %arg7[%add3A_76, %dma_start3A_147] : memref<160x128xi32, #tpu.memory_space<vmem>> -> memref<1x128xi32, #tpu.memory_space<vmem>>
        %dma_start3A_149 = tpu.memref_squeeze %dma_start3A_148 : memref<1x128xi32, #tpu.memory_space<vmem>> -> memref<128xi32, #tpu.memory_space<vmem>>
        %dma_start3A_150 = arith.constant 0 : i32
        %dma_start3A_151 = arith.constant 0 : i32
        %dma_start3A_152 = tpu.memref_slice %arg2[%dma_start3A_150, %dma_start3A_151] : memref<20480x64xf32, #tpu.memory_space<hbm>> -> memref<20480x64xf32, #tpu.memory_space<hbm>>
        tpu.enqueue_indirect_dma source(%dma_start3A_152 : memref<20480x64xf32, #tpu.memory_space<hbm>>) target(%arg9 : memref<128x64xf32, #tpu.memory_space<vmem>>) offsets(%dma_start3A_149 : memref<128xi32, #tpu.memory_space<vmem>>) semaphore(%arg14 : memref<!tpu.dma_semaphore, #tpu.memory_space<semaphore_mem>>)
      } else {
      }
      %mul3A_79 = arith.constant 5 : i32
      %mul3A_80 = arith.muli %scan3A_65, %mul3A_79 : i32
      %add3A_81 = arith.constant 1 : i32
      %add3A_82 = arith.addi %mul3A_80, %add3A_81 : i32
      %dma_wait3A_83 = arith.constant 0 : i32
      %dma_wait3A_84 = tpu.memref_slice %arg7[%add3A_82, %dma_wait3A_83] : memref<160x128xi32, #tpu.memory_space<vmem>> -> memref<1x128xi32, #tpu.memory_space<vmem>>
      %dma_wait3A_85 = tpu.memref_squeeze %dma_wait3A_84 : memref<1x128xi32, #tpu.memory_space<vmem>> -> memref<128xi32, #tpu.memory_space<vmem>>
      %dma_wait3A_86 = arith.constant 0 : i32
      %dma_wait3A_87 = arith.constant 0 : i32
      %dma_wait3A_88 = tpu.memref_slice %arg2[%dma_wait3A_86, %dma_wait3A_87] : memref<20480x64xf32, #tpu.memory_space<hbm>> -> memref<20480x64xf32, #tpu.memory_space<hbm>>
      tpu.wait_indirect_dma semaphore(%arg15 : memref<!tpu.dma_semaphore, #tpu.memory_space<semaphore_mem>>) src(%dma_wait3A_88 : memref<20480x64xf32, #tpu.memory_space<hbm>>) dst(%arg10 : memref<128x64xf32, #tpu.memory_space<vmem>>)
      "tpu.region"() ({
        %run_scoped3A = tpu.sem_alloc : memref<!tpu.dma_semaphore, #tpu.memory_space<semaphore_mem>>
        %dma_start3A_147 = arith.constant 0 : i32
        %dma_start3A_148 = tpu.memref_slice %arg8[%add3A_82, %dma_start3A_147] : memref<160x128xi32, #tpu.memory_space<vmem>> -> memref<1x128xi32, #tpu.memory_space<vmem>>
        %dma_start3A_149 = tpu.memref_squeeze %dma_start3A_148 : memref<1x128xi32, #tpu.memory_space<vmem>> -> memref<128xi32, #tpu.memory_space<vmem>>
        %dma_start3A_150 = arith.constant 0 : i32
        %dma_start3A_151 = arith.constant 0 : i32
        %dma_start3A_152 = tpu.memref_slice %arg19[%dma_start3A_150, %dma_start3A_151] : memref<10240x64xf32, #tpu.memory_space<vmem_shared>> -> memref<10240x64xf32, #tpu.memory_space<vmem_shared>>
        tpu.enqueue_indirect_dma source(%arg10 : memref<128x64xf32, #tpu.memory_space<vmem>>) target(%dma_start3A_152 : memref<10240x64xf32, #tpu.memory_space<vmem_shared>>) offsets(%dma_start3A_149 : memref<128xi32, #tpu.memory_space<vmem>>) semaphore(%run_scoped3A : memref<!tpu.dma_semaphore, #tpu.memory_space<semaphore_mem>>) {add = true}
        %dma_wait3A_153 = arith.constant 0 : i32
        %dma_wait3A_154 = tpu.memref_slice %arg8[%add3A_82, %dma_wait3A_153] : memref<160x128xi32, #tpu.memory_space<vmem>> -> memref<1x128xi32, #tpu.memory_space<vmem>>
        %dma_wait3A_155 = tpu.memref_squeeze %dma_wait3A_154 : memref<1x128xi32, #tpu.memory_space<vmem>> -> memref<128xi32, #tpu.memory_space<vmem>>
        %dma_wait3A_156 = arith.constant 0 : i32
        %dma_wait3A_157 = arith.constant 0 : i32
        %dma_wait3A_158 = tpu.memref_slice %arg19[%dma_wait3A_156, %dma_wait3A_157] : memref<10240x64xf32, #tpu.memory_space<vmem_shared>> -> memref<10240x64xf32, #tpu.memory_space<vmem_shared>>
        tpu.wait_indirect_dma semaphore(%run_scoped3A : memref<!tpu.dma_semaphore, #tpu.memory_space<semaphore_mem>>) src(%arg10 : memref<128x64xf32, #tpu.memory_space<vmem>>) dst(%dma_wait3A_158 : memref<10240x64xf32, #tpu.memory_space<vmem_shared>>)
        tpu.yield
      }) : () -> ()
      %add3A_89 = arith.constant 5 : i32
      %add3A_90 = arith.addi %add3A_82, %add3A_89 : i32
      %lt3A_91 = arith.constant 160 : i32
      %lt3A_92 = arith.cmpi slt, %add3A_90, %lt3A_91 : i32
      %convert_element_type3A_93 = arith.extui %lt3A_92 : i1 to i32
      %cond3A_94 = arith.constant 0 : i32
      %cond3A_95 = arith.cmpi ne, %convert_element_type3A_93, %cond3A_94 : i32
      scf.if %cond3A_95 {
        %dma_start3A_147 = arith.constant 0 : i32
        %dma_start3A_148 = tpu.memref_slice %arg7[%add3A_90, %dma_start3A_147] : memref<160x128xi32, #tpu.memory_space<vmem>> -> memref<1x128xi32, #tpu.memory_space<vmem>>
        %dma_start3A_149 = tpu.memref_squeeze %dma_start3A_148 : memref<1x128xi32, #tpu.memory_space<vmem>> -> memref<128xi32, #tpu.memory_space<vmem>>
        %dma_start3A_150 = arith.constant 0 : i32
        %dma_start3A_151 = arith.constant 0 : i32
        %dma_start3A_152 = tpu.memref_slice %arg2[%dma_start3A_150, %dma_start3A_151] : memref<20480x64xf32, #tpu.memory_space<hbm>> -> memref<20480x64xf32, #tpu.memory_space<hbm>>
        tpu.enqueue_indirect_dma source(%dma_start3A_152 : memref<20480x64xf32, #tpu.memory_space<hbm>>) target(%arg10 : memref<128x64xf32, #tpu.memory_space<vmem>>) offsets(%dma_start3A_149 : memref<128xi32, #tpu.memory_space<vmem>>) semaphore(%arg15 : memref<!tpu.dma_semaphore, #tpu.memory_space<semaphore_mem>>)
      } else {
      }
      %mul3A_96 = arith.constant 5 : i32
      %mul3A_97 = arith.muli %scan3A_65, %mul3A_96 : i32
      %add3A_98 = arith.constant 2 : i32
      %add3A_99 = arith.addi %mul3A_97, %add3A_98 : i32
      %dma_wait3A_100 = arith.constant 0 : i32
      %dma_wait3A_101 = tpu.memref_slice %arg7[%add3A_99, %dma_wait3A_100] : memref<160x128xi32, #tpu.memory_space<vmem>> -> memref<1x128xi32, #tpu.memory_space<vmem>>
      %dma_wait3A_102 = tpu.memref_squeeze %dma_wait3A_101 : memref<1x128xi32, #tpu.memory_space<vmem>> -> memref<128xi32, #tpu.memory_space<vmem>>
      %dma_wait3A_103 = arith.constant 0 : i32
      %dma_wait3A_104 = arith.constant 0 : i32
      %dma_wait3A_105 = tpu.memref_slice %arg2[%dma_wait3A_103, %dma_wait3A_104] : memref<20480x64xf32, #tpu.memory_space<hbm>> -> memref<20480x64xf32, #tpu.memory_space<hbm>>
      tpu.wait_indirect_dma semaphore(%arg16 : memref<!tpu.dma_semaphore, #tpu.memory_space<semaphore_mem>>) src(%dma_wait3A_105 : memref<20480x64xf32, #tpu.memory_space<hbm>>) dst(%arg11 : memref<128x64xf32, #tpu.memory_space<vmem>>)
      "tpu.region"() ({
        %run_scoped3A = tpu.sem_alloc : memref<!tpu.dma_semaphore, #tpu.memory_space<semaphore_mem>>
        %dma_start3A_147 = arith.constant 0 : i32
        %dma_start3A_148 = tpu.memref_slice %arg8[%add3A_99, %dma_start3A_147] : memref<160x128xi32, #tpu.memory_space<vmem>> -> memref<1x128xi32, #tpu.memory_space<vmem>>
        %dma_start3A_149 = tpu.memref_squeeze %dma_start3A_148 : memref<1x128xi32, #tpu.memory_space<vmem>> -> memref<128xi32, #tpu.memory_space<vmem>>
        %dma_start3A_150 = arith.constant 0 : i32
        %dma_start3A_151 = arith.constant 0 : i32
        %dma_start3A_152 = tpu.memref_slice %arg19[%dma_start3A_150, %dma_start3A_151] : memref<10240x64xf32, #tpu.memory_space<vmem_shared>> -> memref<10240x64xf32, #tpu.memory_space<vmem_shared>>
        tpu.enqueue_indirect_dma source(%arg11 : memref<128x64xf32, #tpu.memory_space<vmem>>) target(%dma_start3A_152 : memref<10240x64xf32, #tpu.memory_space<vmem_shared>>) offsets(%dma_start3A_149 : memref<128xi32, #tpu.memory_space<vmem>>) semaphore(%run_scoped3A : memref<!tpu.dma_semaphore, #tpu.memory_space<semaphore_mem>>) {add = true}
        %dma_wait3A_153 = arith.constant 0 : i32
        %dma_wait3A_154 = tpu.memref_slice %arg8[%add3A_99, %dma_wait3A_153] : memref<160x128xi32, #tpu.memory_space<vmem>> -> memref<1x128xi32, #tpu.memory_space<vmem>>
        %dma_wait3A_155 = tpu.memref_squeeze %dma_wait3A_154 : memref<1x128xi32, #tpu.memory_space<vmem>> -> memref<128xi32, #tpu.memory_space<vmem>>
        %dma_wait3A_156 = arith.constant 0 : i32
        %dma_wait3A_157 = arith.constant 0 : i32
        %dma_wait3A_158 = tpu.memref_slice %arg19[%dma_wait3A_156, %dma_wait3A_157] : memref<10240x64xf32, #tpu.memory_space<vmem_shared>> -> memref<10240x64xf32, #tpu.memory_space<vmem_shared>>
        tpu.wait_indirect_dma semaphore(%run_scoped3A : memref<!tpu.dma_semaphore, #tpu.memory_space<semaphore_mem>>) src(%arg11 : memref<128x64xf32, #tpu.memory_space<vmem>>) dst(%dma_wait3A_158 : memref<10240x64xf32, #tpu.memory_space<vmem_shared>>)
        tpu.yield
      }) : () -> ()
      %add3A_106 = arith.constant 5 : i32
      %add3A_107 = arith.addi %add3A_99, %add3A_106 : i32
      %lt3A_108 = arith.constant 160 : i32
      %lt3A_109 = arith.cmpi slt, %add3A_107, %lt3A_108 : i32
      %convert_element_type3A_110 = arith.extui %lt3A_109 : i1 to i32
      %cond3A_111 = arith.constant 0 : i32
      %cond3A_112 = arith.cmpi ne, %convert_element_type3A_110, %cond3A_111 : i32
      scf.if %cond3A_112 {
        %dma_start3A_147 = arith.constant 0 : i32
        %dma_start3A_148 = tpu.memref_slice %arg7[%add3A_107, %dma_start3A_147] : memref<160x128xi32, #tpu.memory_space<vmem>> -> memref<1x128xi32, #tpu.memory_space<vmem>>
        %dma_start3A_149 = tpu.memref_squeeze %dma_start3A_148 : memref<1x128xi32, #tpu.memory_space<vmem>> -> memref<128xi32, #tpu.memory_space<vmem>>
        %dma_start3A_150 = arith.constant 0 : i32
        %dma_start3A_151 = arith.constant 0 : i32
        %dma_start3A_152 = tpu.memref_slice %arg2[%dma_start3A_150, %dma_start3A_151] : memref<20480x64xf32, #tpu.memory_space<hbm>> -> memref<20480x64xf32, #tpu.memory_space<hbm>>
        tpu.enqueue_indirect_dma source(%dma_start3A_152 : memref<20480x64xf32, #tpu.memory_space<hbm>>) target(%arg11 : memref<128x64xf32, #tpu.memory_space<vmem>>) offsets(%dma_start3A_149 : memref<128xi32, #tpu.memory_space<vmem>>) semaphore(%arg16 : memref<!tpu.dma_semaphore, #tpu.memory_space<semaphore_mem>>)
      } else {
      }
      %mul3A_113 = arith.constant 5 : i32
      %mul3A_114 = arith.muli %scan3A_65, %mul3A_113 : i32
      %add3A_115 = arith.constant 3 : i32
      %add3A_116 = arith.addi %mul3A_114, %add3A_115 : i32
      %dma_wait3A_117 = arith.constant 0 : i32
      %dma_wait3A_118 = tpu.memref_slice %arg7[%add3A_116, %dma_wait3A_117] : memref<160x128xi32, #tpu.memory_space<vmem>> -> memref<1x128xi32, #tpu.memory_space<vmem>>
      %dma_wait3A_119 = tpu.memref_squeeze %dma_wait3A_118 : memref<1x128xi32, #tpu.memory_space<vmem>> -> memref<128xi32, #tpu.memory_space<vmem>>
      %dma_wait3A_120 = arith.constant 0 : i32
      %dma_wait3A_121 = arith.constant 0 : i32
      %dma_wait3A_122 = tpu.memref_slice %arg2[%dma_wait3A_120, %dma_wait3A_121] : memref<20480x64xf32, #tpu.memory_space<hbm>> -> memref<20480x64xf32, #tpu.memory_space<hbm>>
      tpu.wait_indirect_dma semaphore(%arg17 : memref<!tpu.dma_semaphore, #tpu.memory_space<semaphore_mem>>) src(%dma_wait3A_122 : memref<20480x64xf32, #tpu.memory_space<hbm>>) dst(%arg12 : memref<128x64xf32, #tpu.memory_space<vmem>>)
      "tpu.region"() ({
        %run_scoped3A = tpu.sem_alloc : memref<!tpu.dma_semaphore, #tpu.memory_space<semaphore_mem>>
        %dma_start3A_147 = arith.constant 0 : i32
        %dma_start3A_148 = tpu.memref_slice %arg8[%add3A_116, %dma_start3A_147] : memref<160x128xi32, #tpu.memory_space<vmem>> -> memref<1x128xi32, #tpu.memory_space<vmem>>
        %dma_start3A_149 = tpu.memref_squeeze %dma_start3A_148 : memref<1x128xi32, #tpu.memory_space<vmem>> -> memref<128xi32, #tpu.memory_space<vmem>>
        %dma_start3A_150 = arith.constant 0 : i32
        %dma_start3A_151 = arith.constant 0 : i32
        %dma_start3A_152 = tpu.memref_slice %arg19[%dma_start3A_150, %dma_start3A_151] : memref<10240x64xf32, #tpu.memory_space<vmem_shared>> -> memref<10240x64xf32, #tpu.memory_space<vmem_shared>>
        tpu.enqueue_indirect_dma source(%arg12 : memref<128x64xf32, #tpu.memory_space<vmem>>) target(%dma_start3A_152 : memref<10240x64xf32, #tpu.memory_space<vmem_shared>>) offsets(%dma_start3A_149 : memref<128xi32, #tpu.memory_space<vmem>>) semaphore(%run_scoped3A : memref<!tpu.dma_semaphore, #tpu.memory_space<semaphore_mem>>) {add = true}
        %dma_wait3A_153 = arith.constant 0 : i32
        %dma_wait3A_154 = tpu.memref_slice %arg8[%add3A_116, %dma_wait3A_153] : memref<160x128xi32, #tpu.memory_space<vmem>> -> memref<1x128xi32, #tpu.memory_space<vmem>>
        %dma_wait3A_155 = tpu.memref_squeeze %dma_wait3A_154 : memref<1x128xi32, #tpu.memory_space<vmem>> -> memref<128xi32, #tpu.memory_space<vmem>>
        %dma_wait3A_156 = arith.constant 0 : i32
        %dma_wait3A_157 = arith.constant 0 : i32
        %dma_wait3A_158 = tpu.memref_slice %arg19[%dma_wait3A_156, %dma_wait3A_157] : memref<10240x64xf32, #tpu.memory_space<vmem_shared>> -> memref<10240x64xf32, #tpu.memory_space<vmem_shared>>
        tpu.wait_indirect_dma semaphore(%run_scoped3A : memref<!tpu.dma_semaphore, #tpu.memory_space<semaphore_mem>>) src(%arg12 : memref<128x64xf32, #tpu.memory_space<vmem>>) dst(%dma_wait3A_158 : memref<10240x64xf32, #tpu.memory_space<vmem_shared>>)
        tpu.yield
      }) : () -> ()
      %add3A_123 = arith.constant 5 : i32
      %add3A_124 = arith.addi %add3A_116, %add3A_123 : i32
      %lt3A_125 = arith.constant 160 : i32
      %lt3A_126 = arith.cmpi slt, %add3A_124, %lt3A_125 : i32
      %convert_element_type3A_127 = arith.extui %lt3A_126 : i1 to i32
      %cond3A_128 = arith.constant 0 : i32
      %cond3A_129 = arith.cmpi ne, %convert_element_type3A_127, %cond3A_128 : i32
      scf.if %cond3A_129 {
        %dma_start3A_147 = arith.constant 0 : i32
        %dma_start3A_148 = tpu.memref_slice %arg7[%add3A_124, %dma_start3A_147] : memref<160x128xi32, #tpu.memory_space<vmem>> -> memref<1x128xi32, #tpu.memory_space<vmem>>
        %dma_start3A_149 = tpu.memref_squeeze %dma_start3A_148 : memref<1x128xi32, #tpu.memory_space<vmem>> -> memref<128xi32, #tpu.memory_space<vmem>>
        %dma_start3A_150 = arith.constant 0 : i32
        %dma_start3A_151 = arith.constant 0 : i32
        %dma_start3A_152 = tpu.memref_slice %arg2[%dma_start3A_150, %dma_start3A_151] : memref<20480x64xf32, #tpu.memory_space<hbm>> -> memref<20480x64xf32, #tpu.memory_space<hbm>>
        tpu.enqueue_indirect_dma source(%dma_start3A_152 : memref<20480x64xf32, #tpu.memory_space<hbm>>) target(%arg12 : memref<128x64xf32, #tpu.memory_space<vmem>>) offsets(%dma_start3A_149 : memref<128xi32, #tpu.memory_space<vmem>>) semaphore(%arg17 : memref<!tpu.dma_semaphore, #tpu.memory_space<semaphore_mem>>)
      } else {
      }
      %mul3A_130 = arith.constant 5 : i32
      %mul3A_131 = arith.muli %scan3A_65, %mul3A_130 : i32
      %add3A_132 = arith.constant 4 : i32
      %add3A_133 = arith.addi %mul3A_131, %add3A_132 : i32
      %dma_wait3A_134 = arith.constant 0 : i32
      %dma_wait3A_135 = tpu.memref_slice %arg7[%add3A_133, %dma_wait3A_134] : memref<160x128xi32, #tpu.memory_space<vmem>> -> memref<1x128xi32, #tpu.memory_space<vmem>>
      %dma_wait3A_136 = tpu.memref_squeeze %dma_wait3A_135 : memref<1x128xi32, #tpu.memory_space<vmem>> -> memref<128xi32, #tpu.memory_space<vmem>>
      %dma_wait3A_137 = arith.constant 0 : i32
      %dma_wait3A_138 = arith.constant 0 : i32
      %dma_wait3A_139 = tpu.memref_slice %arg2[%dma_wait3A_137, %dma_wait3A_138] : memref<20480x64xf32, #tpu.memory_space<hbm>> -> memref<20480x64xf32, #tpu.memory_space<hbm>>
      tpu.wait_indirect_dma semaphore(%arg18 : memref<!tpu.dma_semaphore, #tpu.memory_space<semaphore_mem>>) src(%dma_wait3A_139 : memref<20480x64xf32, #tpu.memory_space<hbm>>) dst(%arg13 : memref<128x64xf32, #tpu.memory_space<vmem>>)
      "tpu.region"() ({
        %run_scoped3A = tpu.sem_alloc : memref<!tpu.dma_semaphore, #tpu.memory_space<semaphore_mem>>
        %dma_start3A_147 = arith.constant 0 : i32
        %dma_start3A_148 = tpu.memref_slice %arg8[%add3A_133, %dma_start3A_147] : memref<160x128xi32, #tpu.memory_space<vmem>> -> memref<1x128xi32, #tpu.memory_space<vmem>>
        %dma_start3A_149 = tpu.memref_squeeze %dma_start3A_148 : memref<1x128xi32, #tpu.memory_space<vmem>> -> memref<128xi32, #tpu.memory_space<vmem>>
        %dma_start3A_150 = arith.constant 0 : i32
        %dma_start3A_151 = arith.constant 0 : i32
        %dma_start3A_152 = tpu.memref_slice %arg19[%dma_start3A_150, %dma_start3A_151] : memref<10240x64xf32, #tpu.memory_space<vmem_shared>> -> memref<10240x64xf32, #tpu.memory_space<vmem_shared>>
        tpu.enqueue_indirect_dma source(%arg13 : memref<128x64xf32, #tpu.memory_space<vmem>>) target(%dma_start3A_152 : memref<10240x64xf32, #tpu.memory_space<vmem_shared>>) offsets(%dma_start3A_149 : memref<128xi32, #tpu.memory_space<vmem>>) semaphore(%run_scoped3A : memref<!tpu.dma_semaphore, #tpu.memory_space<semaphore_mem>>) {add = true}
        %dma_wait3A_153 = arith.constant 0 : i32
        %dma_wait3A_154 = tpu.memref_slice %arg8[%add3A_133, %dma_wait3A_153] : memref<160x128xi32, #tpu.memory_space<vmem>> -> memref<1x128xi32, #tpu.memory_space<vmem>>
        %dma_wait3A_155 = tpu.memref_squeeze %dma_wait3A_154 : memref<1x128xi32, #tpu.memory_space<vmem>> -> memref<128xi32, #tpu.memory_space<vmem>>
        %dma_wait3A_156 = arith.constant 0 : i32
        %dma_wait3A_157 = arith.constant 0 : i32
        %dma_wait3A_158 = tpu.memref_slice %arg19[%dma_wait3A_156, %dma_wait3A_157] : memref<10240x64xf32, #tpu.memory_space<vmem_shared>> -> memref<10240x64xf32, #tpu.memory_space<vmem_shared>>
        tpu.wait_indirect_dma semaphore(%run_scoped3A : memref<!tpu.dma_semaphore, #tpu.memory_space<semaphore_mem>>) src(%arg13 : memref<128x64xf32, #tpu.memory_space<vmem>>) dst(%dma_wait3A_158 : memref<10240x64xf32, #tpu.memory_space<vmem_shared>>)
        tpu.yield
      }) : () -> ()
      %add3A_140 = arith.constant 5 : i32
      %add3A_141 = arith.addi %add3A_133, %add3A_140 : i32
      %lt3A_142 = arith.constant 160 : i32
      %lt3A_143 = arith.cmpi slt, %add3A_141, %lt3A_142 : i32
      %convert_element_type3A_144 = arith.extui %lt3A_143 : i1 to i32
      %cond3A_145 = arith.constant 0 : i32
      %cond3A_146 = arith.cmpi ne, %convert_element_type3A_144, %cond3A_145 : i32
      scf.if %cond3A_146 {
        %dma_start3A_147 = arith.constant 0 : i32
        %dma_start3A_148 = tpu.memref_slice %arg7[%add3A_141, %dma_start3A_147] : memref<160x128xi32, #tpu.memory_space<vmem>> -> memref<1x128xi32, #tpu.memory_space<vmem>>
        %dma_start3A_149 = tpu.memref_squeeze %dma_start3A_148 : memref<1x128xi32, #tpu.memory_space<vmem>> -> memref<128xi32, #tpu.memory_space<vmem>>
        %dma_start3A_150 = arith.constant 0 : i32
        %dma_start3A_151 = arith.constant 0 : i32
        %dma_start3A_152 = tpu.memref_slice %arg2[%dma_start3A_150, %dma_start3A_151] : memref<20480x64xf32, #tpu.memory_space<hbm>> -> memref<20480x64xf32, #tpu.memory_space<hbm>>
        tpu.enqueue_indirect_dma source(%dma_start3A_152 : memref<20480x64xf32, #tpu.memory_space<hbm>>) target(%arg13 : memref<128x64xf32, #tpu.memory_space<vmem>>) offsets(%dma_start3A_149 : memref<128xi32, #tpu.memory_space<vmem>>) semaphore(%arg18 : memref<!tpu.dma_semaphore, #tpu.memory_space<semaphore_mem>>)
      } else {
      }
    }
    %scan3A_59 = arith.constant 32 : i32
    %barrier3A_60 = arith.constant 0 : index
    tpu.barrier barrier_id(%barrier3A_60)
    %mul3A_61 = arith.constant 640 : i32
    %mul3A_62 = arith.muli %arg1, %mul3A_61 : i32
    %mul3A_63 = arith.constant 640 : i32
    %mul3A_64 = arith.muli %arg1, %mul3A_63 : i32
    "tpu.region"() ({
      %run_scoped3A = tpu.sem_alloc : memref<!tpu.dma_semaphore, #tpu.memory_space<semaphore_mem>>
      %dma_start3A_65 = arith.constant 0 : i32
      %dma_start3A_66 = tpu.memref_slice %arg6[%arg0, %mul3A_64, %dma_start3A_65] : memref<2x10240x64xf32, #tpu.memory_space<hbm>> -> memref<1x640x64xf32, #tpu.memory_space<hbm>>
      %dma_start3A_67 = tpu.memref_squeeze %dma_start3A_66 : memref<1x640x64xf32, #tpu.memory_space<hbm>> -> memref<640x64xf32, #tpu.memory_space<hbm>>
      %dma_start3A_68 = arith.constant 0 : i32
      %dma_start3A_69 = tpu.memref_slice %arg19[%mul3A_62, %dma_start3A_68] : memref<10240x64xf32, #tpu.memory_space<vmem_shared>> -> memref<640x64xf32, #tpu.memory_space<vmem_shared>>
      tpu.enqueue_dma source(%dma_start3A_69 : memref<640x64xf32, #tpu.memory_space<vmem_shared>>) target(%dma_start3A_67 : memref<640x64xf32, #tpu.memory_space<hbm>>) target_semaphore(%run_scoped3A : memref<!tpu.dma_semaphore, #tpu.memory_space<semaphore_mem>>)
      %dma_wait3A = arith.constant 0 : i32
      %dma_wait3A_70 = tpu.memref_slice %arg6[%arg0, %mul3A_64, %dma_wait3A] : memref<2x10240x64xf32, #tpu.memory_space<hbm>> -> memref<1x640x64xf32, #tpu.memory_space<hbm>>
      %dma_wait3A_71 = tpu.memref_squeeze %dma_wait3A_70 : memref<1x640x64xf32, #tpu.memory_space<hbm>> -> memref<640x64xf32, #tpu.memory_space<hbm>>
      %dma_wait3A_72 = arith.constant 0 : i32
      %dma_wait3A_73 = tpu.memref_slice %arg19[%mul3A_62, %dma_wait3A_72] : memref<10240x64xf32, #tpu.memory_space<vmem_shared>> -> memref<640x64xf32, #tpu.memory_space<vmem_shared>>
      tpu.wait_dma2 semaphore(%run_scoped3A : memref<!tpu.dma_semaphore, #tpu.memory_space<semaphore_mem>>) src(%dma_wait3A_73 : memref<640x64xf32, #tpu.memory_space<vmem_shared>>) dst(%dma_wait3A_71 : memref<640x64xf32, #tpu.memory_space<hbm>>)
      tpu.yield
    }) : () -> ()
    return
  }
}

module attributes {stable_mosaic.version = 14 : i64} {
  func.func @_scale_body(%arg0: i32, %arg1: memref<640x128xf32, #tpu.memory_space<vmem>>, %arg2: memref<32x640x1xf32, #tpu.memory_space<vmem>>, %arg3: memref<2x640x64xf32, #tpu.memory_space<vmem>>) attributes {dimension_semantics = [#tpu.dimension_semantics<arbitrary>], iteration_bounds = array<i64: 16>, scalar_prefetch = 0 : i64, scratch_operands = 0 : i64, tpu.core_type = #tpu.core_type<tc>, window_params = [{transform_indices = @transform_0, window_bounds = array<i64: 640, 128>}, {transform_indices = @transform_1, window_bounds = array<i64: 32, 640, 1>}, {transform_indices = @transform_2, window_bounds = array<i64: 2, 640, 64>}]} {
    %get3A = arith.constant 0 : index
    %get3A_0 = arith.constant 0 : index
    %get3A_1 = arith.constant 0 : index
    %get3A_2 = vector.load %arg2[%get3A, %get3A_0, %get3A_1] : memref<32x640x1xf32, #tpu.memory_space<vmem>>, vector<32x640x1xf32>
    %reduce_sum3A = arith.constant dense<0.000000e+00> : vector<640x1xf32>
    %reduce_sum3A_3 = vector.multi_reduction <add>, %get3A_2, %reduce_sum3A [0] : vector<32x640x1xf32> to vector<640x1xf32>
    %add3A = arith.constant 1.000000e+00 : f32
    %add3A_4 = vector.broadcast %add3A : f32 to vector<640x1xf32>
    %add3A_5 = arith.addf %reduce_sum3A_3, %add3A_4 : vector<640x1xf32>
    %rsqrt3A = math.rsqrt %add3A_5 : vector<640x1xf32>
    %get3A_6 = arith.constant 0 : index
    %get3A_7 = arith.constant 0 : index
    %get3A_8 = vector.load %arg1[%get3A_6, %get3A_7] : memref<640x128xf32, #tpu.memory_space<vmem>>, vector<640x128xf32>
    %mul3A = vector.broadcast %rsqrt3A : vector<640x1xf32> to vector<640x128xf32>
    %mul3A_9 = arith.mulf %get3A_8, %mul3A : vector<640x128xf32>
    %slice3A = vector.extract_strided_slice %mul3A_9 {offsets = [0, 0], sizes = [640, 64], strides = [1, 1]} : vector<640x128xf32> to vector<640x64xf32>
    %swap3A = arith.constant 0 : index
    %swap3A_10 = arith.constant 0 : index
    %swap3A_11 = arith.constant 0 : index
    %swap3A_12 = vector.load %arg3[%swap3A, %swap3A_10, %swap3A_11] : memref<2x640x64xf32, #tpu.memory_space<vmem>>, vector<1x640x64xf32>
    %swap3A_13 = vector.shape_cast %swap3A_12 : vector<1x640x64xf32> to vector<640x64xf32>
    %swap3A_14 = vector.shape_cast %slice3A : vector<640x64xf32> to vector<1x640x64xf32>
    tpu.vector_store %arg3[%swap3A, %swap3A_10, %swap3A_11], %swap3A_14 {strides = array<i32>} : memref<2x640x64xf32, #tpu.memory_space<vmem>>, vector<1x640x64xf32>,
    %slice3A_15 = vector.extract_strided_slice %mul3A_9 {offsets = [0, 64], sizes = [640, 64], strides = [1, 1]} : vector<640x128xf32> to vector<640x64xf32>
    %swap3A_16 = arith.constant 1 : index
    %swap3A_17 = arith.constant 0 : index
    %swap3A_18 = arith.constant 0 : index
    %swap3A_19 = vector.load %arg3[%swap3A_16, %swap3A_17, %swap3A_18] : memref<2x640x64xf32, #tpu.memory_space<vmem>>, vector<1x640x64xf32>
    %swap3A_20 = vector.shape_cast %swap3A_19 : vector<1x640x64xf32> to vector<640x64xf32>
    %swap3A_21 = vector.shape_cast %slice3A_15 : vector<640x64xf32> to vector<1x640x64xf32>
    tpu.vector_store %arg3[%swap3A_16, %swap3A_17, %swap3A_18], %swap3A_21 {strides = array<i32>} : memref<2x640x64xf32, #tpu.memory_space<vmem>>, vector<1x640x64xf32>,
    return
  }
  func.func @transform_0(%arg0: i32) -> (i32, i32) {
    %c0_i32 = arith.constant 0 : i32
    %c0_i32_0 = arith.constant 0 : i32
    return %arg0, %c0_i32 : i32, i32
  }
  func.func @transform_1(%arg0: i32) -> (i32, i32, i32) {
    %c0_i32 = arith.constant 0 : i32
    %c0_i32_0 = arith.constant 0 : i32
    %c0_i32_1 = arith.constant 0 : i32
    return %c0_i32, %arg0, %c0_i32_0 : i32, i32, i32
  }
  func.func @transform_2(%arg0: i32) -> (i32, i32, i32) {
    %c0_i32 = arith.constant 0 : i32
    %c0_i32_0 = arith.constant 0 : i32
    %c0_i32_1 = arith.constant 0 : i32
    return %c0_i32, %arg0, %c0_i32_0 : i32, i32, i32
  }
}

module attributes {stable_mosaic.version = 14 : i64} {
  func.func @_final_body(%arg0: i32, %arg1: memref<2x640x64xf32, #tpu.memory_space<vmem>>, %arg2: memref<2x640x64xf32, #tpu.memory_space<vmem>>, %arg3: memref<32x640x1xf32, #tpu.memory_space<vmem>>, %arg4: memref<128x128xf32, #tpu.memory_space<vmem>>, %arg5: memref<1x128xf32, #tpu.memory_space<vmem>>, %arg6: memref<640x128xf32, #tpu.memory_space<vmem>>) attributes {dimension_semantics = [#tpu.dimension_semantics<arbitrary>], iteration_bounds = array<i64: 16>, scalar_prefetch = 0 : i64, scratch_operands = 0 : i64, tpu.core_type = #tpu.core_type<tc>, window_params = [{transform_indices = @transform_0, window_bounds = array<i64: 2, 640, 64>}, {transform_indices = @transform_1, window_bounds = array<i64: 2, 640, 64>}, {transform_indices = @transform_2, window_bounds = array<i64: 32, 640, 1>}, {pipeline_mode = #tpu.pipeline_mode<synchronous>, transform_indices = @transform_3, window_bounds = array<i64: 128, 128>}, {pipeline_mode = #tpu.pipeline_mode<synchronous>, transform_indices = @transform_4, window_bounds = array<i64: 1, 128>}, {transform_indices = @transform_5, window_bounds = array<i64: 640, 128>}]} {
    %get3A = arith.constant 0 : index
    %get3A_0 = arith.constant 0 : index
    %get3A_1 = arith.constant 0 : index
    %get3A_2 = vector.load %arg3[%get3A, %get3A_0, %get3A_1] : memref<32x640x1xf32, #tpu.memory_space<vmem>>, vector<32x640x1xf32>
    %reduce_sum3A = arith.constant dense<0.000000e+00> : vector<640x1xf32>
    %reduce_sum3A_3 = vector.multi_reduction <add>, %get3A_2, %reduce_sum3A [0] : vector<32x640x1xf32> to vector<640x1xf32>
    %add3A = arith.constant 1.000000e+00 : f32
    %add3A_4 = vector.broadcast %add3A : f32 to vector<640x1xf32>
    %add3A_5 = arith.addf %reduce_sum3A_3, %add3A_4 : vector<640x1xf32>
    %rsqrt3A = math.rsqrt %add3A_5 : vector<640x1xf32>
    %get3A_6 = arith.constant 0 : index
    %get3A_7 = arith.constant 0 : index
    %get3A_8 = arith.constant 0 : index
    %get3A_9 = vector.load %arg2[%get3A_6, %get3A_7, %get3A_8] : memref<2x640x64xf32, #tpu.memory_space<vmem>>, vector<1x640x64xf32>
    %get3A_10 = vector.shape_cast %get3A_9 : vector<1x640x64xf32> to vector<640x64xf32>
    %get3A_11 = arith.constant 1 : index
    %get3A_12 = arith.constant 0 : index
    %get3A_13 = arith.constant 0 : index
    %get3A_14 = vector.load %arg2[%get3A_11, %get3A_12, %get3A_13] : memref<2x640x64xf32, #tpu.memory_space<vmem>>, vector<1x640x64xf32>
    %get3A_15 = vector.shape_cast %get3A_14 : vector<1x640x64xf32> to vector<640x64xf32>
    %concatenate3A = tpu.concatenate %get3A_10, %get3A_15 in 1 : vector<640x64xf32>, vector<640x64xf32> -> vector<640x128xf32>
    %get3A_16 = arith.constant 0 : index
    %get3A_17 = arith.constant 0 : index
    %get3A_18 = arith.constant 0 : index
    %get3A_19 = vector.load %arg1[%get3A_16, %get3A_17, %get3A_18] : memref<2x640x64xf32, #tpu.memory_space<vmem>>, vector<1x640x64xf32>
    %get3A_20 = vector.shape_cast %get3A_19 : vector<1x640x64xf32> to vector<640x64xf32>
    %get3A_21 = arith.constant 1 : index
    %get3A_22 = arith.constant 0 : index
    %get3A_23 = arith.constant 0 : index
    %get3A_24 = vector.load %arg1[%get3A_21, %get3A_22, %get3A_23] : memref<2x640x64xf32, #tpu.memory_space<vmem>>, vector<1x640x64xf32>
    %get3A_25 = vector.shape_cast %get3A_24 : vector<1x640x64xf32> to vector<640x64xf32>
    %concatenate3A_26 = tpu.concatenate %get3A_20, %get3A_25 in 1 : vector<640x64xf32>, vector<640x64xf32> -> vector<640x128xf32>
    %add3A_27 = arith.addf %concatenate3A_26, %concatenate3A : vector<640x128xf32>
    %mul3A = vector.broadcast %rsqrt3A : vector<640x1xf32> to vector<640x128xf32>
    %mul3A_28 = arith.mulf %add3A_27, %mul3A : vector<640x128xf32>
    %get3A_29 = arith.constant 0 : index
    %get3A_30 = arith.constant 0 : index
    %get3A_31 = vector.load %arg4[%get3A_29, %get3A_30] : memref<128x128xf32, #tpu.memory_space<vmem>>, vector<128x128xf32>
    %dot_general3A = arith.constant dense<0.000000e+00> : vector<640x128xf32>
    %dot_general3A_32 = tpu.matmul %mul3A_28, %get3A_31, %dot_general3A {dimension_numbers = #tpu.dot_dimension_numbers<[1], [1], [0], [0], [0, 0, 1, 0], [], []>, precision = #tpu.contract_precision<fp32>, transpose_lhs_hint = false} : vector<640x128xf32>, vector<128x128xf32>, vector<640x128xf32> -> vector<640x128xf32>
    %get3A_33 = arith.constant 0 : index
    %get3A_34 = arith.constant 0 : index
    %get3A_35 = vector.load %arg5[%get3A_33, %get3A_34] : memref<1x128xf32, #tpu.memory_space<vmem>>, vector<1x128xf32>
    %add3A_36 = vector.broadcast %get3A_35 : vector<1x128xf32> to vector<640x128xf32>
    %add3A_37 = arith.addf %dot_general3A_32, %add3A_36 : vector<640x128xf32>
    %swap3A = arith.constant 0 : index
    %swap3A_38 = arith.constant 0 : index
    %swap3A_39 = vector.load %arg6[%swap3A, %swap3A_38] : memref<640x128xf32, #tpu.memory_space<vmem>>, vector<640x128xf32>
    tpu.vector_store %arg6[%swap3A, %swap3A_38], %add3A_37 {strides = array<i32>} : memref<640x128xf32, #tpu.memory_space<vmem>>, vector<640x128xf32>,
    return
  }
  func.func @transform_0(%arg0: i32) -> (i32, i32, i32) {
    %c0_i32 = arith.constant 0 : i32
    %c0_i32_0 = arith.constant 0 : i32
    %c0_i32_1 = arith.constant 0 : i32
    return %c0_i32, %arg0, %c0_i32_0 : i32, i32, i32
  }
  func.func @transform_1(%arg0: i32) -> (i32, i32, i32) {
    %c0_i32 = arith.constant 0 : i32
    %c0_i32_0 = arith.constant 0 : i32
    %c0_i32_1 = arith.constant 0 : i32
    return %c0_i32, %arg0, %c0_i32_0 : i32, i32, i32
  }
  func.func @transform_2(%arg0: i32) -> (i32, i32, i32) {
    %c0_i32 = arith.constant 0 : i32
    %c0_i32_0 = arith.constant 0 : i32
    %c0_i32_1 = arith.constant 0 : i32
    return %c0_i32, %arg0, %c0_i32_0 : i32, i32, i32
  }
  func.func @transform_3(%arg0: i32) -> (i32, i32) {
    %c0_i32 = arith.constant 0 : i32
    %c0_i32_0 = arith.constant 0 : i32
    %c0_i32_1 = arith.constant 0 : i32
    return %c0_i32, %c0_i32_0 : i32, i32
  }
  func.func @transform_4(%arg0: i32) -> (i32, i32) {
    %c0_i32 = arith.constant 0 : i32
    %c0_i32_0 = arith.constant 0 : i32
    %c0_i32_1 = arith.constant 0 : i32
    return %c0_i32, %c0_i32_0 : i32, i32
  }
  func.func @transform_5(%arg0: i32) -> (i32, i32) {
    %c0_i32 = arith.constant 0 : i32
    %c0_i32_0 = arith.constant 0 : i32
    return %arg0, %c0_i32 : i32, i32
  }
}

</mosaic_0001>

<sc_bundles>
// kernel: kernel.6.cloned.1.call-start
scs
__scs_entry_jumppad:
0x0: {  	(pc) =	sbr.rel $0x88, $3  }
0x1: {  	(tag) =	ssettag $0x0;
	lr =	simm.s32 $0x1  }
0x2: {  	[smem:$0x3F9D] =	sst lr;
	_ =	strace $0xD0000000  }
0x3: {  	_ = 	snop  }
0x4: {  	_ = 	snop  }
0x5: {  	_ = 	snop  }
0x6: {  	_ = 	snop  }
0x7: {  	_ = 	snop  }
__scs_overlays_trampoline_lowered:
0x8: {  	[smem:$0x3FAC] =	sst s0  }
0x9: {  	[smem:$0x3FAD] =	sst s1  }
0xa: {  	[smem:$0x3FAE] =	sst s2  }
0xb: {  	[smem:$0x3FAF] =	sst s3  }
0xc: {  	[smem:$0x3FB0] =	sst s4  }
0xd: {  	[smem:$0x3FB1] =	sst s5  }
0xe: {  	[smem:$0x3FB2] =	sst s6  }
0xf: {  	[smem:$0x3FB3] =	sst s7  }
0x10: {  	[smem:$0x3FB4] =	sst s8  }
0x11: {  	[smem:$0x3FB5] =	sst s9;
	s0 =	simm.s32 @!p0 $0x0  }
0x12: {  	s1 =	sld [smem:$0x3F9B];
	s0 =	simm.s32 @p0 $0x1  }
0x13: {  	[smem:$0x3FB6] =	sst s0;
	s0 =	simm.s32 @!p1 $0x0  }
0x14: {  	s2 =	sld [smem:$0x3F9A];
	s0 =	simm.s32 @p1 $0x1  }
0x15: {  	[smem:$0x3FB7] =	sst s0;
	s0 =	simm.s32 @!p2 $0x0  }
0x16: {  	s3 =	sld [smem:$0x3FDB];
	s0 =	simm.s32 @p2 $0x1  }
0x17: {  	s4 =	simm.s32 $0x1BF5;
	[smem:$0x3FB9] =	sst s0  }
0x18: {  	s0 =	sld [smem:$0x3F9C];
	_ =	swait.ge [sflag:s4], $0x0  }
0x19: {  	s7 =	sld [smem:$0x3F9D]  }
0x1a: {  	s8 =	sadd.s32 $0xFFFFE003, lr  }
0x1b: {  	s9 =	sadd.s32 $0xFFFFFEF7, lr;
	s5 =	simm.s32 $0xFFFFFFFF;
	p2 =	slt.u32 s8, $0xFFFFF086  }
0x1c: {  	p1 =	slt.u32 s9, $0xF7A;
	s5 =	simm.s32 @!p2 $0x0  }
0x1d: {  	s5 =	simm.s32 @p1 $0x1;
	p0 =	seq.s32 s7, s2  }
0x1e: {  	s7 =	smul.u32 @!p0 $0xF7A, s2;
	p2 =	seq.s32 @!p0 s5, $0x0  }
0x1f: {  	s9 =	smul.u32 $0xF7A, s1;
	s8 =	simm.s32 @!p0 $0x1BF5;
	p2 =	por !p2, p0  }
0x20: {  	[sflag:s8] =	ssyncset.s32 @!p0 $0xFFFFF086;
	s6 =	sadd.s32 @!p0 s3, s7;
	s7 =	simm.s32 @!p0 $0x108  }
0x21: {  	s3 =	sadd.s32 s3, s9;
	s6 =	sadd.s32 @!p0 $0x88, s6;
	s7 =	simm.s32 @p2 $0x1082  }
0x22: {  	[simem:s7], [sflag:s8] =	dma.local @!p0 [hbm:s6], $0xF7A  }
0x23: {  	s9 =	sor.u32 $0xD0000000, s2;
	s6 =	simm.s32 $0x108;
	_ =	swait.ge @!p0 [sflag:s8], $0x0  }
0x24: {  	s3 =	sadd.s32 $0x88, s3;
	s6 =	simm.s32 @!p1 $0x1082;
	[sflag:s4] =	ssyncset.s32 $0xFFFFF086  }
0x25: {  	[simem:s6], [sflag:s4] =	dma.local [hbm:s3], $0xF7A  }
0x26: {  	[smem:$0x3F9D] =	sst s1;
	(tag) =	ssettag s2;
	_ =	strace s9  }
0x27: {  	s1 =	sld [smem:$0x3FAD]  }
0x28: {  	s2 =	sld [smem:$0x3FAE]  }
0x29: {  	s4 =	sld [smem:$0x3FB0]  }
0x2a: {  	p0 =	seq.s32 s5, $0x0;
	s5 =	sld [smem:$0x3FB1]  }
0x2b: {  	s6 =	sld [smem:$0x3FB2]  }
0x2c: {  	s7 =	sld [smem:$0x3FB3]  }
0x2d: {  	s3 =	simm.s32 $0x108;
	s8 =	sld [smem:$0x3FB4]  }
0x2e: {  	s3 =	simm.s32 @!p0 $0x1082;
	s9 =	sld [smem:$0x3FB5]  }
0x2f: {  	lr =	sadd.s32 s0, s3;
	s0 =	sld [smem:$0x3FAC]  }
0x30: {  	s3 =	sld [smem:$0x3FAF]  }
0x31: {  	[smem:$0x3FB8] =	sst s10  }
0x32: {  	s10 =	sld [smem:$0x3FB6];
	_ =	sdelay $0x3  }
0x33: {  	p0 =	seq.s32 s10, $0x1;
	s10 =	sld [smem:$0x3FB8];
	_ =	sdelay $0x3  }
0x34: {  	[smem:$0x3FB8] =	sst s10  }
0x35: {  	s10 =	sld [smem:$0x3FB7];
	_ =	sdelay $0x3  }
0x36: {  	p1 =	seq.s32 s10, $0x1;
	s10 =	sld [smem:$0x3FB8];
	_ =	sdelay $0x3  }
0x37: {  	[smem:$0x3FB8] =	sst s10  }
0x38: {  	s10 =	sld [smem:$0x3FB9]  }
0x39: {  	_ = 	snop;
	(pc) =	sbr.ind lr, $3  }
0x3a: {  	_ = 	snop  }
0x3b: {  	_ = 	snop  }
0x3c: {  	p2 =	seq.s32 s10, $0x1;
	s10 =	sld [smem:$0x3FB8]  }
0x3d: {  	_ =	shalt  }
0x3e: {  	_ =	shalt  }
0x3f: {  	_ =	shalt  }
0x40: {  	_ =	shalt  }
0x41: {  	_ =	shalt  }
0x42: {  	_ =	shalt  }
0x43: {  	_ =	shalt  }
0x44: {  	_ =	shalt  }
0x45: {  	_ =	shalt  }
0x46: {  	_ =	shalt  }
0x47: {  	_ =	shalt  }
0x48: {  	_ =	shalt  }
0x49: {  	_ =	shalt  }
0x4a: {  	_ =	shalt  }
0x4b: {  	_ =	shalt  }
0x4c: {  	_ =	shalt  }
0x4d: {  	_ =	shalt  }
0x4e: {  	_ =	shalt  }
0x4f: {  	_ =	shalt  }
0x50: {  	_ =	shalt  }
0x51: {  	_ =	shalt  }
0x52: {  	_ =	shalt  }
0x53: {  	_ =	shalt  }
0x54: {  	_ =	shalt  }
0x55: {  	_ =	shalt  }
0x56: {  	_ =	shalt  }
0x57: {  	_ =	shalt  }
0x58: {  	_ =	shalt  }
0x59: {  	_ =	shalt  }
0x5a: {  	_ =	shalt  }
0x5b: {  	_ =	shalt  }
0x5c: {  	_ =	shalt  }
0x5d: {  	_ =	shalt  }
0x5e: {  	_ =	shalt  }
0x5f: {  	_ =	shalt  }
0x60: {  	_ =	shalt  }
0x61: {  	_ =	shalt  }
0x62: {  	_ =	shalt  }
0x63: {  	_ =	shalt  }
0x64: {  	_ =	shalt  }
0x65: {  	_ =	shalt  }
0x66: {  	_ =	shalt  }
0x67: {  	_ =	shalt  }
0x68: {  	_ =	shalt  }
0x69: {  	_ =	shalt  }
0x6a: {  	_ =	shalt  }
0x6b: {  	_ =	shalt  }
0x6c: {  	_ =	shalt  }
0x6d: {  	_ =	shalt  }
0x6e: {  	_ =	shalt  }
0x6f: {  	_ =	shalt  }
0x70: {  	_ =	shalt  }
0x71: {  	_ =	shalt  }
0x72: {  	_ =	shalt  }
0x73: {  	_ =	shalt  }
0x74: {  	_ =	shalt  }
0x75: {  	_ =	shalt  }
0x76: {  	_ =	shalt  }
0x77: {  	_ =	shalt  }
0x78: {  	_ =	shalt  }
0x79: {  	_ =	shalt  }
0x7a: {  	_ =	shalt  }
0x7b: {  	_ =	shalt  }
0x7c: {  	_ =	shalt  }
0x7d: {  	_ =	shalt  }
0x7e: {  	_ =	shalt  }
0x7f: {  	_ =	shalt  }
0x80: {  	_ =	shalt  }
0x81: {  	_ =	shalt  }
0x82: {  	_ =	shalt  }
0x83: {  	_ =	shalt  }
0x84: {  	_ =	shalt  }
0x85: {  	_ =	shalt  }
0x86: {  	_ =	shalt  }
0x87: {  	_ =	shalt  }
.Lfunc_end0:
.L_simem_size_0:
called_computation_lowered:
.L_overlay_start_0:
0x88: {  	s2 =	sld [smem:$0x3FD9]  }
0x89: {  	s3 =	sld [smem:$0x3FFE];
	_ =	sdelay $0x1  }
0x8a: {  	s1 =	srdreg.scid  }
0x8b: {  	s0 =	sand.u32 $0x1, s1  }
0x8c: {  	s16 =	sshll.u32 s0, $0xA;
	s2 =	sadd.s32 s3, s2  }
0x8d: {  	s2 =	sadd.s32 s2, s16  }
0x8e: {  	[smem:$0x3FC4] =	sst s2  }
0x8f: {  	_ = 	snop  }
0x90: {  	(tm) =	ssettm $0x1  }
0x91: {  	s17 =	sld [smem:$0x3FFB];
	_ =	sdelay $0x3  }
0x92: {  	_ =	strace s17  }
0x93: {  	s2 =	sld [smem:$0x3FFC];
	_ =	sdelay $0x3  }
0x94: {  	_ =	strace s2  }
0x95: {  	s2 =	sld [smem:$0x3FFD];
	_ =	sdelay $0x3  }
0x96: {  	_ =	strace s2  }
0x97: {  	_ =	strace $0x8FFFFFFF  }
0x98: {  	s18 =	sld [smem:$0x3FDB];
	_ =	sdelay $0x1  }
0x99: {  	s19 =	simm.s32 $_scs_section_size  }
0x9a: {  	s4 =	simm.s32 $_size__tile_overlayer_lowered;
	s5 =	simm.s32 $_tile_overlayer_lowered  }
0x9b: {  	s22 =	simm.s32 $0x1BFF;
	s21 =	sshll.u32 s5, $0x1;
	s2 =	sadd.s32 s19, s18  }
0x9c: {  	s6 =	simm.s32 $0x0;
	s20 =	sshll.u32 s4, $0x1;
	s4 =	sadd.s32 s21, s2  }
0x9d: {  	[timem:s6], [sflag:s22] =	dma.local [hbm:s4], s20  }
0x9e: {  	_ =	swait.ge [sflag:s22], s20  }
0x9f: {  	s3 =	ssub.s32 $0x0, s20;
	[sflag:s22] =	ssyncset.done $0x0  }
0xa0: {  	[sflag:s22] =	ssyncadd.s32 s3;
	_ =	sdelay $0x1  }
0xa1: {  	s23 =	simm.s32 $0x1B8B  }
0xa2: {  	_ =	swait.ge [sflag:s23], $0x1  }
0xa3: {  	[sflag:s23] =	ssyncset.done $0x0  }
0xa4: {  	s25 =	simm.s32 $0x1B8E;
	s24 =	sld [smem:$0x3FFE];
	[sflag:s23] =	ssyncadd.s32 $0xFFFFFFFF  }
0xa5: {  	s26 =	simm.s32 $execute0_lowered;
	[smem:$0x3FD2] =	sst s25  }
0xa6: {  	s4 =	sshll.u32 s26, $0x1;
	_ =	strace $0x80000046;
	[dreg:$0x1] =	wrdreg $0xFFFFFFFF  }
0xa7: {  	s28 =	simm.s32 $_size_execute0_lowered;
	s2 =	sadd.s32 s2, s4;
	[dreg:$0x0] =	wrdreg $0x0  }
0xa8: {  	s4 =	sshll.u32 s28, $0x1;
	[dreg:$0x2] =	wrdreg s2  }
0xa9: {  	[dreg:$0x3] =	wrdreg s4  }
0xaa: {  	[dreg:$0x4] =	wrdreg $0xC0  }
0xab: {  	_ =	task [dreg:s6], $0x5FFFF  }
0xac: {  	[dreg:$0x1] =	wrdreg $0xFFFFFFFF  }
0xad: {  	[dreg:$0x0] =	wrdreg $0x60  }
0xae: {  	[dreg:$0x2] =	wrdreg s24  }
0xaf: {  	[dreg:$0x3] =	wrdreg $0x9  }
0xb0: {  	_ =	task.clear_ibuf [dreg:s6], $0x4FFFF;
	_ =	strace $0x90000046  }
0xb1: {  	s29 =	simm.s32 $0x9;
	_ =	strace $0x80000048  }
0xb2: {  	_ =	swait.ge [sflag:s29], $0x1  }
0xb3: {  	[sflag:s29] =	ssyncadd.s32 $0xFFFFFFFF  }
0xb4: {  	_ =	strace $0x90000048  }
0xb5: {  	_ =	sfence  }
0xb6: {  	s30 =	sld [smem:$0x0];
	_ =	sdelay $0x2  }
0xb7: {  	s31 =	sshll.u32 s1, $0xD;
	s1 =	sshrl.u32 s1, $0x2  }
0xb8: {  	s3 =	sand.u32 $0x4000, s31;
	s1 =	sadd.s32 s1, s30  }
0xb9: {  	s0 =	sor.u32 s3, s0;
	s1 =	sshll.u32 s1, $0x11  }
0xba: {  	s0 =	sor.u32 s1, s0  }
0xbb: {  	s0 =	sadd.s32 $0x8F2B, s0  }
0xbc: {  	[sflag:s0] =	ssyncadd.remote.s32 $0x1  }
0xbd: {  	_ =	sfence.sel $0xFFFF  }
0xbe: {  	[dreg:$0x0] =	wrdreg $0xFFFFFFFF;
	(pc) =	sbr.abs _section_cstart, $3  }
0xbf: {  	[dreg:$0x1] =	wrdreg $0xFFFFFFFF  }
0xc0: {  	_ =	task.clear_ibuf [dreg:s6], $0x2FFFF;
	_ =	strace $0x9FFFFFFF  }
0xc1: {  	(tm) =	ssettm $0x7FFFFFFF  }
tec
execute0_lowered:
.L_overlay_start_1:
0x0: {  	(tag) =	ssettag $0x1  }
0x1: {  	s0 =	srdreg.scid  }
0x2: {  	s4 =	rddreg [dreg:$0x0];
	s3 =	sand.u32 $0x1, s0  }
0x3: {  	s2 =	simm.s32 $0x0;
	s0 =	stileid.u32;
	s1 =	sshll.u32 s3, $0x4  }
0x4: {  	s8 =	simm.s32 $0x400;
	s9 =	simm.s32 $0x1;
	s1 =	sor.u32 s0, s1  }
0x5: {  	s10 =	simm.s32 $0x2780;
	s11 =	simm.s32 $0x0;
	s5 =	sshrl.u32 s1, $0x3  }
0x6: {  	[smem:$0x7FF] =	sst s2;
	s6 =	sshll.u32 s0, $0x7;
	s7 =	smul.u32 $0x13C00, s5  }
0x7: {  	s30 =	ssub.s32 $0x2, s3;
	s6 =	sand.u32 $0x380, s6;
	s5 =	smul.u32 $0x14000, s5  }
0x8: {  	s3 =	sadd.s32 $0xAA00, s4;
	s31 =	sshrl.u32 s30, $0x1;
	s7 =	sor.u32 s6, s7  }
0x9: {  	s1 =	rddreg [dreg:$0x1];
	s5 =	sor.u32 s6, s5;
	s7 =	sshrl.u32 s7, $0x3  }
0xa: {  	_ =	strace $0x80000047;
	s5 =	sshrl.u32 s5, $0x3;
	s29 =	sadd.s32 s7, s4  }
0xb: {  	s5 =	sadd.s32 s5, s4;
	s7 =	ssub.s32 s30, s31;
	s4 =	sadd.s32 $0xC00, s29  }
0xc: {  	v0 =	vimm.f32 $1.000000000e+00;
	s5 =	sadd.s32 $0xB000, s5;
	s6 =	smax.u32 s7, $0x1;
	s7 =	simm.s32 $0x80  }
.LBB2_1:
0xd: {  	[tilespmem:s2], [sflag:$0x1] =	stream.strided.gather [hbm4b:s4+s7], $0x2780, s8, s7, $0x38;
	[tilespmem:$0x4F80] =	vst v63  }
0xe: {  	_ =	swait.ge [sflag:s9], $0x2780  }
0xf: {  	[sflag:s9] =	ssyncset.done $0x0  }
0x10: {  	[sflag:s9] =	ssyncadd.s32 $0xFFFFD880  }
0x11: {  	[tilespmem:s10], [sflag:$0x1] =	stream.linear.gather [hbm4b:s3+s2], $0x2800, $0x38;
	[tilespmem:$0x4F80] =	vst v63  }
0x12: {  	_ =	swait.ge [sflag:s9], $0x2800  }
0x13: {  	[sflag:s9] =	ssyncset.done $0x0  }
0x14: {  	s13 =	simm.s32 $0x0;
	s12 =	simm.s32 $0x40;
	[sflag:s9] =	ssyncadd.s32 $0xFFFFD800  }
.LBB2_2:
0x15: {  	p0 =	sne.s32 s12, $0x9C00;
	v1 =	vld [tilespmem:s13+$0x0];
	_ =	sdelay $0x3  }
.Ltmp0:
0x16: {  	(pc) =	sbr.rel @p0 .LBB2_2-.Ltmp0, $2  }
0x17: {  	_ =	sdelay $0x2  }
0x18: {  	s13 =	sshra.s32 s12, $0x2;
	s12 =	sadd.s32 $0x40, s12;
	[tilespmem:v1+s10+$0x0] =	vst.idx.add.f32.msk $0xffff, v0  }
0x19: {  	v1 =	vld [tilespmem:s13+$0x0];
	_ =	sdelay $0x5  }
0x1a: {  	s11 =	sadd.s32 $0x1, s11  }
0x1b: {  	p0 =	sne.s32 s11, s6  }
.Ltmp1:
0x1c: {  	[tilespmem:v1+s10+$0x0] =	vst.idx.add.f32.msk $0xffff, v0;
	(pc) =	sbr.rel @p0 .LBB2_1-.Ltmp1, $4  }
0x1d: {  	[hbm4b:s5+s7] =	stream.strided.scatter [tilespmem:s10], [sflag:$0x1], $0x2800, s8, s7, $0x38;
	[tilespmem:$0x4F80] =	vst v63  }
0x1e: {  	_ =	swait.ge [sflag:s9], $0x2800  }
0x1f: {  	[sflag:s9] =	ssyncset.done $0x0  }
0x20: {  	[sflag:s9] =	ssyncadd.s32 $0xFFFFD800  }
0x21: {  	_ =	sfence.sel $0x180000  }
0x22: {  	[bflag:$0x0] =	sbarrier.arrive $0xFFFF  }
0x23: {  	p0 =	sne.s32 s0, $0x0;
	_ =	strace $0x90000047  }
0x24: {  	s0 =	sadd.s32 @!p0 $0x100000, s1;
	[bflag:$0x2] =	sbarrier.arrive $0xFFFF  }
0x25: {  	[sflag:s0] =	ssyncadd.tile.s32 @!p0 $0x1;
	_ =	shalt  }
.Lfunc_end2:
_tile_overlayer_lowered:
.L_overlay_start_2:
0x26: {  	(tag) =	ssettag $0x2  }
0x27: {  	s0 =	rddreg [dreg:$0x0];
	s2 =	stileid.u32  }
0x28: {  	s1 =	rddreg [dreg:$0x1];
	p0 =	sne.s32 s2, $0x0  }
0x29: {  	s3 =	rddreg [dreg:$0x2];
	[bflag:$0x3] =	sbarrier.arrive $0xFFFF;
	s2 =	simm.s32 @!p0 $0x1C01  }
0x2a: {  	[timem:s3], [sflag:s2] =	dma.local @!p0 [hbm:s0], s1  }
0x2b: {  	s0 =	simm.s32 @!p0 $0x1  }
0x2c: {  	_ =	swait.ge @!p0 [sflag:s0], s1  }
0x2d: {  	s1 =	ssub.s32 @!p0 $0x0, s1;
	[sflag:s0] =	ssyncset.done @!p0 $0x0  }
0x2e: {  	[sflag:s0] =	ssyncadd.s32 @!p0 s1  }
0x2f: {  	[bflag:$0x3] =	sbarrier.arrive $0xFFFF  }
0x30: {  	_ =	shalt  }

// kernel: kernel.9.cloned.1.call-start
scs
__scs_entry_jumppad:
0x0: {  	(pc) =	sbr.rel $0x88, $3  }
0x1: {  	(tag) =	ssettag $0x0;
	lr =	simm.s32 $0x1  }
0x2: {  	[smem:$0x3F9D] =	sst lr;
	_ =	strace $0xD0000000  }
0x3: {  	_ = 	snop  }
0x4: {  	_ = 	snop  }
0x5: {  	_ = 	snop  }
0x6: {  	_ = 	snop  }
0x7: {  	_ = 	snop  }
__scs_overlays_trampoline_lowered:
0x8: {  	[smem:$0x3FAC] =	sst s0  }
0x9: {  	[smem:$0x3FAD] =	sst s1  }
0xa: {  	[smem:$0x3FAE] =	sst s2  }
0xb: {  	[smem:$0x3FAF] =	sst s3  }
0xc: {  	[smem:$0x3FB0] =	sst s4  }
0xd: {  	[smem:$0x3FB1] =	sst s5  }
0xe: {  	[smem:$0x3FB2] =	sst s6  }
0xf: {  	[smem:$0x3FB3] =	sst s7  }
0x10: {  	[smem:$0x3FB4] =	sst s8  }
0x11: {  	[smem:$0x3FB5] =	sst s9;
	s0 =	simm.s32 @!p0 $0x0  }
0x12: {  	s1 =	sld [smem:$0x3F9B];
	s0 =	simm.s32 @p0 $0x1  }
0x13: {  	[smem:$0x3FB6] =	sst s0;
	s0 =	simm.s32 @!p1 $0x0  }
0x14: {  	s2 =	sld [smem:$0x3F9A];
	s0 =	simm.s32 @p1 $0x1  }
0x15: {  	[smem:$0x3FB7] =	sst s0;
	s0 =	simm.s32 @!p2 $0x0  }
0x16: {  	s3 =	sld [smem:$0x3FDB];
	s0 =	simm.s32 @p2 $0x1  }
0x17: {  	s4 =	simm.s32 $0x1BF5;
	[smem:$0x3FB9] =	sst s0  }
0x18: {  	s0 =	sld [smem:$0x3F9C];
	_ =	swait.ge [sflag:s4], $0x0  }
0x19: {  	s7 =	sld [smem:$0x3F9D]  }
0x1a: {  	s8 =	sadd.s32 $0xFFFFE003, lr  }
0x1b: {  	s9 =	sadd.s32 $0xFFFFFEF7, lr;
	s5 =	simm.s32 $0xFFFFFFFF;
	p2 =	slt.u32 s8, $0xFFFFF086  }
0x1c: {  	p1 =	slt.u32 s9, $0xF7A;
	s5 =	simm.s32 @!p2 $0x0  }
0x1d: {  	s5 =	simm.s32 @p1 $0x1;
	p0 =	seq.s32 s7, s2  }
0x1e: {  	s7 =	smul.u32 @!p0 $0xF7A, s2;
	p2 =	seq.s32 @!p0 s5, $0x0  }
0x1f: {  	s9 =	smul.u32 $0xF7A, s1;
	s8 =	simm.s32 @!p0 $0x1BF5;
	p2 =	por !p2, p0  }
0x20: {  	[sflag:s8] =	ssyncset.s32 @!p0 $0xFFFFF086;
	s6 =	sadd.s32 @!p0 s3, s7;
	s7 =	simm.s32 @!p0 $0x108  }
0x21: {  	s3 =	sadd.s32 s3, s9;
	s6 =	sadd.s32 @!p0 $0x88, s6;
	s7 =	simm.s32 @p2 $0x1082  }
0x22: {  	[simem:s7], [sflag:s8] =	dma.local @!p0 [hbm:s6], $0xF7A  }
0x23: {  	s9 =	sor.u32 $0xD0000000, s2;
	s6 =	simm.s32 $0x108;
	_ =	swait.ge @!p0 [sflag:s8], $0x0  }
0x24: {  	s3 =	sadd.s32 $0x88, s3;
	s6 =	simm.s32 @!p1 $0x1082;
	[sflag:s4] =	ssyncset.s32 $0xFFFFF086  }
0x25: {  	[simem:s6], [sflag:s4] =	dma.local [hbm:s3], $0xF7A  }
0x26: {  	[smem:$0x3F9D] =	sst s1;
	(tag) =	ssettag s2;
	_ =	strace s9  }
0x27: {  	s1 =	sld [smem:$0x3FAD]  }
0x28: {  	s2 =	sld [smem:$0x3FAE]  }
0x29: {  	s4 =	sld [smem:$0x3FB0]  }
0x2a: {  	p0 =	seq.s32 s5, $0x0;
	s5 =	sld [smem:$0x3FB1]  }
0x2b: {  	s6 =	sld [smem:$0x3FB2]  }
0x2c: {  	s7 =	sld [smem:$0x3FB3]  }
0x2d: {  	s3 =	simm.s32 $0x108;
	s8 =	sld [smem:$0x3FB4]  }
0x2e: {  	s3 =	simm.s32 @!p0 $0x1082;
	s9 =	sld [smem:$0x3FB5]  }
0x2f: {  	lr =	sadd.s32 s0, s3;
	s0 =	sld [smem:$0x3FAC]  }
0x30: {  	s3 =	sld [smem:$0x3FAF]  }
0x31: {  	[smem:$0x3FB8] =	sst s10  }
0x32: {  	s10 =	sld [smem:$0x3FB6];
	_ =	sdelay $0x3  }
0x33: {  	p0 =	seq.s32 s10, $0x1;
	s10 =	sld [smem:$0x3FB8];
	_ =	sdelay $0x3  }
0x34: {  	[smem:$0x3FB8] =	sst s10  }
0x35: {  	s10 =	sld [smem:$0x3FB7];
	_ =	sdelay $0x3  }
0x36: {  	p1 =	seq.s32 s10, $0x1;
	s10 =	sld [smem:$0x3FB8];
	_ =	sdelay $0x3  }
0x37: {  	[smem:$0x3FB8] =	sst s10  }
0x38: {  	s10 =	sld [smem:$0x3FB9]  }
0x39: {  	_ = 	snop;
	(pc) =	sbr.ind lr, $3  }
0x3a: {  	_ = 	snop  }
0x3b: {  	_ = 	snop  }
0x3c: {  	p2 =	seq.s32 s10, $0x1;
	s10 =	sld [smem:$0x3FB8]  }
0x3d: {  	_ =	shalt  }
0x3e: {  	_ =	shalt  }
0x3f: {  	_ =	shalt  }
0x40: {  	_ =	shalt  }
0x41: {  	_ =	shalt  }
0x42: {  	_ =	shalt  }
0x43: {  	_ =	shalt  }
0x44: {  	_ =	shalt  }
0x45: {  	_ =	shalt  }
0x46: {  	_ =	shalt  }
0x47: {  	_ =	shalt  }
0x48: {  	_ =	shalt  }
0x49: {  	_ =	shalt  }
0x4a: {  	_ =	shalt  }
0x4b: {  	_ =	shalt  }
0x4c: {  	_ =	shalt  }
0x4d: {  	_ =	shalt  }
0x4e: {  	_ =	shalt  }
0x4f: {  	_ =	shalt  }
0x50: {  	_ =	shalt  }
0x51: {  	_ =	shalt  }
0x52: {  	_ =	shalt  }
0x53: {  	_ =	shalt  }
0x54: {  	_ =	shalt  }
0x55: {  	_ =	shalt  }
0x56: {  	_ =	shalt  }
0x57: {  	_ =	shalt  }
0x58: {  	_ =	shalt  }
0x59: {  	_ =	shalt  }
0x5a: {  	_ =	shalt  }
0x5b: {  	_ =	shalt  }
0x5c: {  	_ =	shalt  }
0x5d: {  	_ =	shalt  }
0x5e: {  	_ =	shalt  }
0x5f: {  	_ =	shalt  }
0x60: {  	_ =	shalt  }
0x61: {  	_ =	shalt  }
0x62: {  	_ =	shalt  }
0x63: {  	_ =	shalt  }
0x64: {  	_ =	shalt  }
0x65: {  	_ =	shalt  }
0x66: {  	_ =	shalt  }
0x67: {  	_ =	shalt  }
0x68: {  	_ =	shalt  }
0x69: {  	_ =	shalt  }
0x6a: {  	_ =	shalt  }
0x6b: {  	_ =	shalt  }
0x6c: {  	_ =	shalt  }
0x6d: {  	_ =	shalt  }
0x6e: {  	_ =	shalt  }
0x6f: {  	_ =	shalt  }
0x70: {  	_ =	shalt  }
0x71: {  	_ =	shalt  }
0x72: {  	_ =	shalt  }
0x73: {  	_ =	shalt  }
0x74: {  	_ =	shalt  }
0x75: {  	_ =	shalt  }
0x76: {  	_ =	shalt  }
0x77: {  	_ =	shalt  }
0x78: {  	_ =	shalt  }
0x79: {  	_ =	shalt  }
0x7a: {  	_ =	shalt  }
0x7b: {  	_ =	shalt  }
0x7c: {  	_ =	shalt  }
0x7d: {  	_ =	shalt  }
0x7e: {  	_ =	shalt  }
0x7f: {  	_ =	shalt  }
0x80: {  	_ =	shalt  }
0x81: {  	_ =	shalt  }
0x82: {  	_ =	shalt  }
0x83: {  	_ =	shalt  }
0x84: {  	_ =	shalt  }
0x85: {  	_ =	shalt  }
0x86: {  	_ =	shalt  }
0x87: {  	_ =	shalt  }
.Lfunc_end0:
.L_simem_size_0:
called_computation.1_lowered:
.L_overlay_start_0:
0x88: {  	s2 =	sld [smem:$0x3FD9]  }
0x89: {  	s3 =	sld [smem:$0x3FFE];
	_ =	sdelay $0x1  }
0x8a: {  	s1 =	srdreg.scid  }
0x8b: {  	s0 =	sand.u32 $0x1, s1  }
0x8c: {  	s17 =	sshll.u32 s0, $0xA;
	s2 =	sadd.s32 s3, s2  }
0x8d: {  	s2 =	sadd.s32 s2, s17  }
0x8e: {  	[smem:$0x3FC4] =	sst s2  }
0x8f: {  	_ = 	snop  }
0x90: {  	s2 =	sld [smem:$0x3FD0];
	(tm) =	ssettm $0x1  }
0x91: {  	s18 =	sld [smem:$0x3FFB];
	_ =	sdelay $0x3  }
0x92: {  	_ =	strace s18  }
0x93: {  	s3 =	sld [smem:$0x3FFC];
	_ =	sdelay $0x3  }
0x94: {  	_ =	strace s3  }
0x95: {  	s3 =	sld [smem:$0x3FFD];
	_ =	sdelay $0x3  }
0x96: {  	_ =	strace s3  }
0x97: {  	_ =	strace $0x8FFFFFFF  }
0x98: {  	s19 =	sld [smem:$0x3FDB];
	_ =	sdelay $0x1  }
0x99: {  	s4 =	simm.s32 $_scs_section_size  }
0x9a: {  	s5 =	simm.s32 $_size__tile_overlayer_lowered;
	s6 =	simm.s32 $_tile_overlayer_lowered  }
0x9b: {  	s22 =	simm.s32 $0x1BFF;
	s21 =	sshll.u32 s6, $0x1;
	s3 =	sadd.s32 s4, s19  }
0x9c: {  	s7 =	simm.s32 $0x0;
	s20 =	sshll.u32 s5, $0x1;
	s5 =	sadd.s32 s21, s3  }
0x9d: {  	[timem:s7], [sflag:s22] =	dma.local [hbm:s5], s20  }
0x9e: {  	_ =	swait.ge [sflag:s22], s20  }
0x9f: {  	s4 =	ssub.s32 $0x0, s20;
	[sflag:s22] =	ssyncset.done $0x0  }
0xa0: {  	[sflag:s22] =	ssyncadd.s32 s4;
	_ =	sdelay $0x1  }
0xa1: {  	s23 =	simm.s32 $0x1B8B  }
0xa2: {  	_ =	swait.ge [sflag:s23], $0x1  }
0xa3: {  	[sflag:s23] =	ssyncset.done $0x0  }
0xa4: {  	s25 =	simm.s32 $0x1B8E;
	s24 =	sld [smem:$0x3FFE];
	[sflag:s23] =	ssyncadd.s32 $0xFFFFFFFF  }
0xa5: {  	s26 =	simm.s32 $execute0_lowered;
	[smem:$0x3FD2] =	sst s25  }
0xa6: {  	s5 =	sshll.u32 s26, $0x1;
	_ =	strace $0x80000049;
	[dreg:$0x1] =	wrdreg $0xFFFFFFFF  }
0xa7: {  	s28 =	simm.s32 $_size_execute0_lowered;
	s3 =	sadd.s32 s3, s5;
	[dreg:$0x0] =	wrdreg $0x0  }
0xa8: {  	s5 =	sshll.u32 s28, $0x1;
	[dreg:$0x2] =	wrdreg s3  }
0xa9: {  	[dreg:$0x3] =	wrdreg s5  }
0xaa: {  	[dreg:$0x4] =	wrdreg $0xC0  }
0xab: {  	_ =	task [dreg:s7], $0x5FFFF  }
0xac: {  	[dreg:$0x1] =	wrdreg $0xFFFFFFFF  }
0xad: {  	[dreg:$0x0] =	wrdreg $0x60  }
0xae: {  	[dreg:$0x2] =	wrdreg s24  }
0xaf: {  	[dreg:$0x3] =	wrdreg s2  }
0xb0: {  	[dreg:$0x4] =	wrdreg $0x140000  }
0xb1: {  	[dreg:$0x5] =	wrdreg $0x9  }
0xb2: {  	_ =	task.clear_ibuf [dreg:s7], $0x6FFFF;
	_ =	strace $0x90000049  }
0xb3: {  	s29 =	simm.s32 $0x9;
	_ =	strace $0x8000004B  }
0xb4: {  	_ =	swait.ge [sflag:s29], $0x1  }
0xb5: {  	[sflag:s29] =	ssyncadd.s32 $0xFFFFFFFF  }
0xb6: {  	_ =	strace $0x9000004B  }
0xb7: {  	_ =	sfence  }
0xb8: {  	s30 =	sld [smem:$0x0];
	_ =	sdelay $0x2  }
0xb9: {  	s31 =	sshll.u32 s1, $0xD;
	s1 =	sshrl.u32 s1, $0x2  }
0xba: {  	s3 =	sand.u32 $0x4000, s31;
	s1 =	sadd.s32 s1, s30  }
0xbb: {  	s0 =	sor.u32 s3, s0;
	s1 =	sshll.u32 s1, $0x11  }
0xbc: {  	s0 =	sor.u32 s1, s0  }
0xbd: {  	s0 =	sadd.s32 $0x8F2B, s0  }
0xbe: {  	[sflag:s0] =	ssyncadd.remote.s32 $0x1  }
0xbf: {  	_ =	sfence.sel $0xFFFF  }
0xc0: {  	[dreg:$0x0] =	wrdreg $0xFFFFFFFF;
	(pc) =	sbr.abs _section_cstart, $3  }
0xc1: {  	[dreg:$0x1] =	wrdreg $0xFFFFFFFF  }
0xc2: {  	_ =	task.clear_ibuf [dreg:s7], $0x2FFFF;
	_ =	strace $0x9FFFFFFF  }
0xc3: {  	(tm) =	ssettm $0x7FFFFFFF  }
tec
execute0_lowered:
.L_overlay_start_1:
0x0: {  	(tag) =	ssettag $0x1  }
0x1: {  	s0 =	rddreg [dreg:$0x0]  }
0x2: {  	s1 =	rddreg [dreg:$0x1]  }
0x3: {  	s2 =	rddreg [dreg:$0x2]  }
0x4: {  	s11 =	stileid.u32;
	s3 =	simm.s32 $0x0;
	s4 =	srdreg.scid  }
0x5: {  	s15 =	simm.s32 $0x6;
	s17 =	simm.s32 $0xA000;
	s18 =	simm.s32 $0x80  }
0x6: {  	s19 =	simm.s32 $0xC000;
	s21 =	simm.s32 $0xE000;
	s23 =	simm.s32 $0x10000  }
0x7: {  	s28 =	simm.s32 $0x2;
	s29 =	simm.s32 $0x3;
	s30 =	simm.s32 $0x4  }
0x8: {  	s31 =	simm.s32 $0x5;
	s20 =	simm.s32 $0x9F00;
	s22 =	simm.s32 $0x9F80  }
0x9: {  	s24 =	simm.s32 $0x0;
	s5 =	smul.u32 $0xA00, s11;
	[smem:$0x7FF] =	sst s3  }
0xa: {  	s6 =	sand.u32 $0x1, s4;
	s8 =	smul.u32 $0xA000, s11;
	s4 =	sadd.s32 $0x51F000, s0  }
0xb: {  	_ =	strace $0x8000004A;
	s7 =	smul.u32 $0xA0000, s6;
	s10 =	sshll.u32 s6, $0x4  }
0xc: {  	s6 =	ssub.s32 $0x2, s6;
	s9 =	sadd.s32 s5, s0;
	s5 =	sadd.s32 $0xC00, s0  }
0xd: {  	s10 =	sor.u32 s11, s10;
	s11 =	smul.u32 $0x28000, s11;
	s25 =	sshrl.u32 s6, $0x1  }
0xe: {  	s7 =	sadd.s32 s8, s7;
	s10 =	smul.u32 $0xA00, s10;
	s14 =	ssub.s32 s6, s25  }
0xf: {  	s8 =	sadd.s32 s8, s2;
	s25 =	simm.s32 $0x12000;
	s7 =	sshrl.u32 s7, $0x3  }
0x10: {  	s11 =	sshrl.u32 s11, $0x2;
	s14 =	smax.u32 s14, $0x1;
	s0 =	sadd.s32 s7, s0  }
0x11: {  	s6 =	sadd.s32 s1, s10;
	s26 =	sadd.s32 s11, s2;
	s7 =	sadd.s32 $0x15000, s9  }
0x12: {  	s9 =	sadd.s32 $0x2000, s26;
	s10 =	sadd.s32 $0x4000, s26;
	s11 =	sadd.s32 $0x6000, s26  }
0x13: {  	s12 =	sadd.s32 $0x8000, s26;
	s13 =	sadd.s32 $0x547000, s0;
	s26 =	simm.s32 $0x1  }
.LBB2_1:
0x14: {  	[tilespmem:s3], [sflag:$0x6] =	stream.linear.gather [hbm4b:s6+s3], $0x5000, $0x38;
	[tilespmem:$0x1E000] =	vst v63  }
0x15: {  	_ =	swait.ge [sflag:s15], $0x5000  }
0x16: {  	[sflag:s15] =	ssyncset.done $0x0  }
0x17: {  	s0 =	simm.s32 $0x5000;
	[sflag:s15] =	ssyncadd.s32 $0xFFFFB000  }
0x18: {  	[tilespmem:s0], [sflag:$0x6] =	stream.linear.gather [hbm4b:s7+s3], $0x5000, $0x38;
	[tilespmem:$0x1E000] =	vst v63  }
0x19: {  	_ =	swait.ge [sflag:s15], $0x5000  }
0x1a: {  	[sflag:s15] =	ssyncset.done $0x0  }
0x1b: {  	[sflag:s15] =	ssyncadd.s32 $0xFFFFB000  }
0x1c: {  	[tilespmem:s17], [sflag:$0x6] =	stream.linear.gather [hbm4b:s5+s3], $0x2000, $0x38;
	[tilespmem:$0x1E000] =	vst v63  }
0x1d: {  	_ =	swait.ge [sflag:s15], $0x2000  }
0x1e: {  	[sflag:s15] =	ssyncset.done $0x0  }
0x1f: {  	[sflag:s15] =	ssyncadd.s32 $0xFFFFE000  }
0x20: {  	[spmem:s8] =	stream.linear.scatter [tilespmem:s17], [sflag:$0x6], $0x2000, $0x38;
	[tilespmem:$0x1E000] =	vst v63  }
0x21: {  	_ =	swait.ge [sflag:s15], $0x2000  }
0x22: {  	[sflag:s15] =	ssyncset.done $0x0  }
0x23: {  	[sflag:s15] =	ssyncadd.s32 $0xFFFFE000  }
0x24: {  	[spmem:s9] =	stream.linear.scatter [tilespmem:s17], [sflag:$0x6], $0x2000, $0x38;
	[tilespmem:$0x1E000] =	vst v63  }
0x25: {  	_ =	swait.ge [sflag:s15], $0x2000  }
0x26: {  	[sflag:s15] =	ssyncset.done $0x0  }
0x27: {  	[sflag:s15] =	ssyncadd.s32 $0xFFFFE000  }
0x28: {  	[spmem:s10] =	stream.linear.scatter [tilespmem:s17], [sflag:$0x6], $0x2000, $0x38;
	[tilespmem:$0x1E000] =	vst v63  }
0x29: {  	_ =	swait.ge [sflag:s15], $0x2000  }
0x2a: {  	[sflag:s15] =	ssyncset.done $0x0  }
0x2b: {  	[sflag:s15] =	ssyncadd.s32 $0xFFFFE000  }
0x2c: {  	[spmem:s11] =	stream.linear.scatter [tilespmem:s17], [sflag:$0x6], $0x2000, $0x38;
	[tilespmem:$0x1E000] =	vst v63  }
0x2d: {  	_ =	swait.ge [sflag:s15], $0x2000  }
0x2e: {  	[sflag:s15] =	ssyncset.done $0x0  }
0x2f: {  	[sflag:s15] =	ssyncadd.s32 $0xFFFFE000  }
0x30: {  	[spmem:s12] =	stream.linear.scatter [tilespmem:s17], [sflag:$0x6], $0x2000, $0x38;
	[tilespmem:$0x1E000] =	vst v63  }
0x31: {  	_ =	swait.ge [sflag:s15], $0x2000  }
0x32: {  	[sflag:s15] =	ssyncset.done $0x0  }
0x33: {  	[sflag:s15] =	ssyncadd.s32 $0xFFFFE000  }
0x34: {  	[bflag:$0x0] =	sbarrier.arrive $0xFFFF  }
0x35: {  	[tilespmem:s17], [sflag:$0x1] =	stream.indirect.gather [hbm4b:s4+s18], $0x40, s3, s18, $0xb8;
	[tilespmem:$0x1E000] =	vst v63  }
0x36: {  	_ = 	snop  }
0x37: {  	[tilespmem:s19], [sflag:$0x2] =	stream.indirect.gather [hbm4b:s4+s18], $0x40, s18, s18, $0xb8;
	[tilespmem:$0x1E000] =	vst v63  }
0x38: {  	s1 =	simm.s32 $0x100  }
0x39: {  	[tilespmem:s21], [sflag:$0x3] =	stream.indirect.gather [hbm4b:s4+s18], $0x40, s1, s18, $0xb8;
	[tilespmem:$0x1E000] =	vst v63  }
0x3a: {  	s16 =	simm.s32 $0x180  }
0x3b: {  	[tilespmem:s23], [sflag:$0x4] =	stream.indirect.gather [hbm4b:s4+s18], $0x40, s16, s18, $0xb8;
	[tilespmem:$0x1E000] =	vst v63  }
0x3c: {  	s1 =	simm.s32 $0x200  }
0x3d: {  	[tilespmem:s25], [sflag:$0x5] =	stream.indirect.gather [hbm4b:s4+s18], $0x40, s1, s18, $0xb8;
	[tilespmem:$0x1E000] =	vst v63  }
0x3e: {  	_ =	swait.ge [sflag:s26], $0x2000  }
0x3f: {  	[sflag:s26] =	ssyncset.done $0x0  }
0x40: {  	s16 =	simm.s32 $0x5000;
	[sflag:s26] =	ssyncadd.s32 $0xFFFFE000  }
0x41: {  	[spmem:s2] =	stream.indirect.scatter.add.f32 [tilespmem:s17], [sflag:$0x6], $0x40, s16, s18, $0xb8;
	[tilespmem:$0x1E000] =	vst v63  }
0x42: {  	_ =	swait.ge [sflag:s15], $0x2000  }
0x43: {  	[sflag:s15] =	ssyncset.done $0x0  }
0x44: {  	s1 =	simm.s32 $0x280;
	[sflag:s15] =	ssyncadd.s32 $0xFFFFE000  }
0x45: {  	[tilespmem:s17], [sflag:$0x1] =	stream.indirect.gather [hbm4b:s4+s18], $0x40, s1, s18, $0xb8;
	[tilespmem:$0x1E000] =	vst v63  }
0x46: {  	_ =	swait.ge [sflag:s28], $0x2000  }
0x47: {  	[sflag:s28] =	ssyncset.done $0x0  }
0x48: {  	s16 =	simm.s32 $0x5080;
	[sflag:s28] =	ssyncadd.s32 $0xFFFFE000  }
0x49: {  	[spmem:s2] =	stream.indirect.scatter.add.f32 [tilespmem:s19], [sflag:$0x6], $0x40, s16, s18, $0xb8;
	[tilespmem:$0x1E000] =	vst v63  }
0x4a: {  	_ =	swait.ge [sflag:s15], $0x2000  }
0x4b: {  	[sflag:s15] =	ssyncset.done $0x0  }
0x4c: {  	s1 =	simm.s32 $0x300;
	[sflag:s15] =	ssyncadd.s32 $0xFFFFE000  }
0x4d: {  	[tilespmem:s19], [sflag:$0x2] =	stream.indirect.gather [hbm4b:s4+s18], $0x40, s1, s18, $0xb8;
	[tilespmem:$0x1E000] =	vst v63  }
0x4e: {  	_ =	swait.ge [sflag:s29], $0x2000  }
0x4f: {  	[sflag:s29] =	ssyncset.done $0x0  }
0x50: {  	s16 =	simm.s32 $0x5100;
	[sflag:s29] =	ssyncadd.s32 $0xFFFFE000  }
0x51: {  	[spmem:s2] =	stream.indirect.scatter.add.f32 [tilespmem:s21], [sflag:$0x6], $0x40, s16, s18, $0xb8;
	[tilespmem:$0x1E000] =	vst v63  }
0x52: {  	_ =	swait.ge [sflag:s15], $0x2000  }
0x53: {  	[sflag:s15] =	ssyncset.done $0x0  }
0x54: {  	s1 =	simm.s32 $0x380;
	[sflag:s15] =	ssyncadd.s32 $0xFFFFE000  }
0x55: {  	[tilespmem:s21], [sflag:$0x3] =	stream.indirect.gather [hbm4b:s4+s18], $0x40, s1, s18, $0xb8;
	[tilespmem:$0x1E000] =	vst v63  }
0x56: {  	_ =	swait.ge [sflag:s30], $0x2000  }
0x57: {  	[sflag:s30] =	ssyncset.done $0x0  }
0x58: {  	s16 =	simm.s32 $0x5180;
	[sflag:s30] =	ssyncadd.s32 $0xFFFFE000  }
0x59: {  	[spmem:s2] =	stream.indirect.scatter.add.f32 [tilespmem:s23], [sflag:$0x6], $0x40, s16, s18, $0xb8;
	[tilespmem:$0x1E000] =	vst v63  }
0x5a: {  	_ =	swait.ge [sflag:s15], $0x2000  }
0x5b: {  	[sflag:s15] =	ssyncset.done $0x0  }
0x5c: {  	s1 =	simm.s32 $0x400;
	[sflag:s15] =	ssyncadd.s32 $0xFFFFE000  }
0x5d: {  	[tilespmem:s23], [sflag:$0x4] =	stream.indirect.gather [hbm4b:s4+s18], $0x40, s1, s18, $0xb8;
	[tilespmem:$0x1E000] =	vst v63  }
0x5e: {  	_ =	swait.ge [sflag:s31], $0x2000  }
0x5f: {  	[sflag:s31] =	ssyncset.done $0x0  }
0x60: {  	s16 =	simm.s32 $0x5200;
	[sflag:s31] =	ssyncadd.s32 $0xFFFFE000  }
0x61: {  	[spmem:s2] =	stream.indirect.scatter.add.f32 [tilespmem:s25], [sflag:$0x6], $0x40, s16, s18, $0xb8;
	[tilespmem:$0x1E000] =	vst v63  }
0x62: {  	_ =	swait.ge [sflag:s15], $0x2000  }
0x63: {  	[sflag:s15] =	ssyncset.done $0x0  }
0x64: {  	s0 =	simm.s32 $0xA00;
	s16 =	simm.s32 $0x480;
	[sflag:s15] =	ssyncadd.s32 $0xFFFFE000  }
.LBB2_2:
0x65: {  	[tilespmem:s25], [sflag:$0x5] =	stream.indirect.gather [hbm4b:s4+s18], $0x40, s16, s18, $0xb8;
	[tilespmem:$0x1E000] =	vst v63  }
0x66: {  	s16 =	smov.u32 s0  }
0x67: {  	p0 =	sne.s32 s0, $0x12C00;
	s0 =	sadd.s32 $0xA00, s0;
	_ =	swait.ge [sflag:s26], $0x2000  }
0x68: {  	s16 =	sshra.s32 s16, $0x2;
	[sflag:s26] =	ssyncset.done $0x0  }
0x69: {  	s1 =	sadd.s32 $0x5000, s16;
	[sflag:s26] =	ssyncadd.s32 $0xFFFFE000  }
0x6a: {  	[spmem:s2] =	stream.indirect.scatter.add.f32 [tilespmem:s17], [sflag:$0x6], $0x40, s1, s18, $0xb8;
	[tilespmem:$0x1E000] =	vst v63  }
0x6b: {  	_ =	swait.ge [sflag:s15], $0x2000  }
0x6c: {  	[sflag:s15] =	ssyncset.done $0x0  }
0x6d: {  	s1 =	sadd.s32 $0x280, s16;
	[sflag:s15] =	ssyncadd.s32 $0xFFFFE000  }
0x6e: {  	[tilespmem:s17], [sflag:$0x1] =	stream.indirect.gather [hbm4b:s4+s18], $0x40, s1, s18, $0xb8;
	[tilespmem:$0x1E000] =	vst v63  }
0x6f: {  	_ =	swait.ge [sflag:s28], $0x2000  }
0x70: {  	[sflag:s28] =	ssyncset.done $0x0  }
0x71: {  	s1 =	sadd.s32 $0x5080, s16;
	[sflag:s28] =	ssyncadd.s32 $0xFFFFE000  }
0x72: {  	[spmem:s2] =	stream.indirect.scatter.add.f32 [tilespmem:s19], [sflag:$0x6], $0x40, s1, s18, $0xb8;
	[tilespmem:$0x1E000] =	vst v63  }
0x73: {  	_ =	swait.ge [sflag:s15], $0x2000  }
0x74: {  	[sflag:s15] =	ssyncset.done $0x0  }
0x75: {  	s1 =	sadd.s32 $0x300, s16;
	[sflag:s15] =	ssyncadd.s32 $0xFFFFE000  }
0x76: {  	[tilespmem:s19], [sflag:$0x2] =	stream.indirect.gather [hbm4b:s4+s18], $0x40, s1, s18, $0xb8;
	[tilespmem:$0x1E000] =	vst v63  }
0x77: {  	_ =	swait.ge [sflag:s29], $0x2000  }
0x78: {  	[sflag:s29] =	ssyncset.done $0x0  }
0x79: {  	s1 =	sadd.s32 $0x5100, s16;
	[sflag:s29] =	ssyncadd.s32 $0xFFFFE000  }
0x7a: {  	[spmem:s2] =	stream.indirect.scatter.add.f32 [tilespmem:s21], [sflag:$0x6], $0x40, s1, s18, $0xb8;
	[tilespmem:$0x1E000] =	vst v63  }
0x7b: {  	_ =	swait.ge [sflag:s15], $0x2000  }
0x7c: {  	[sflag:s15] =	ssyncset.done $0x0  }
0x7d: {  	s1 =	sadd.s32 $0x380, s16;
	[sflag:s15] =	ssyncadd.s32 $0xFFFFE000  }
0x7e: {  	[tilespmem:s21], [sflag:$0x3] =	stream.indirect.gather [hbm4b:s4+s18], $0x40, s1, s18, $0xb8;
	[tilespmem:$0x1E000] =	vst v63  }
0x7f: {  	_ =	swait.ge [sflag:s30], $0x2000  }
0x80: {  	[sflag:s30] =	ssyncset.done $0x0  }
0x81: {  	s1 =	sadd.s32 $0x5180, s16;
	[sflag:s30] =	ssyncadd.s32 $0xFFFFE000  }
0x82: {  	[spmem:s2] =	stream.indirect.scatter.add.f32 [tilespmem:s23], [sflag:$0x6], $0x40, s1, s18, $0xb8;
	[tilespmem:$0x1E000] =	vst v63  }
0x83: {  	_ =	swait.ge [sflag:s15], $0x2000  }
0x84: {  	[sflag:s15] =	ssyncset.done $0x0  }
0x85: {  	s1 =	sadd.s32 $0x400, s16;
	[sflag:s15] =	ssyncadd.s32 $0xFFFFE000  }
0x86: {  	[tilespmem:s23], [sflag:$0x4] =	stream.indirect.gather [hbm4b:s4+s18], $0x40, s1, s18, $0xb8;
	[tilespmem:$0x1E000] =	vst v63  }
0x87: {  	_ =	swait.ge [sflag:s31], $0x2000  }
0x88: {  	[sflag:s31] =	ssyncset.done $0x0  }
.Ltmp0:
0x89: {  	s1 =	sadd.s32 $0x5200, s16;
	[sflag:s31] =	ssyncadd.s32 $0xFFFFE000;
	(pc) =	sbr.rel @p0 .LBB2_2-.Ltmp0, $4  }
0x8a: {  	[spmem:s2] =	stream.indirect.scatter.add.f32 [tilespmem:s25], [sflag:$0x6], $0x40, s1, s18, $0xb8;
	[tilespmem:$0x1E000] =	vst v63  }
0x8b: {  	_ =	swait.ge [sflag:s15], $0x2000  }
0x8c: {  	[sflag:s15] =	ssyncset.done $0x0  }
0x8d: {  	s16 =	sadd.s32 $0x480, s16;
	[sflag:s15] =	ssyncadd.s32 $0xFFFFE000  }
0x8e: {  	[tilespmem:s25], [sflag:$0x5] =	stream.indirect.gather [hbm4b:s4+s18], $0x40, s16, s18, $0xb8;
	[tilespmem:$0x1E000] =	vst v63  }
0x8f: {  	_ =	swait.ge [sflag:s26], $0x2000  }
0x90: {  	[sflag:s26] =	ssyncset.done $0x0  }
0x91: {  	s0 =	simm.s32 $0x9D80;
	[sflag:s26] =	ssyncadd.s32 $0xFFFFE000  }
0x92: {  	[spmem:s2] =	stream.indirect.scatter.add.f32 [tilespmem:s17], [sflag:$0x6], $0x40, s0, s18, $0xb8;
	[tilespmem:$0x1E000] =	vst v63  }
0x93: {  	_ =	swait.ge [sflag:s15], $0x2000  }
0x94: {  	[sflag:s15] =	ssyncset.done $0x0  }
0x95: {  	[sflag:s15] =	ssyncadd.s32 $0xFFFFE000  }
0x96: {  	_ =	swait.ge [sflag:s28], $0x2000  }
0x97: {  	[sflag:s28] =	ssyncset.done $0x0  }
0x98: {  	s16 =	simm.s32 $0x9E00;
	[sflag:s28] =	ssyncadd.s32 $0xFFFFE000  }
0x99: {  	[spmem:s2] =	stream.indirect.scatter.add.f32 [tilespmem:s19], [sflag:$0x6], $0x40, s16, s18, $0xb8;
	[tilespmem:$0x1E000] =	vst v63  }
0x9a: {  	_ =	swait.ge [sflag:s15], $0x2000  }
0x9b: {  	[sflag:s15] =	ssyncset.done $0x0  }
0x9c: {  	[sflag:s15] =	ssyncadd.s32 $0xFFFFE000  }
0x9d: {  	_ =	swait.ge [sflag:s29], $0x2000  }
0x9e: {  	[sflag:s29] =	ssyncset.done $0x0  }
0x9f: {  	s1 =	simm.s32 $0x9E80;
	[sflag:s29] =	ssyncadd.s32 $0xFFFFE000  }
0xa0: {  	[spmem:s2] =	stream.indirect.scatter.add.f32 [tilespmem:s21], [sflag:$0x6], $0x40, s1, s18, $0xb8;
	[tilespmem:$0x1E000] =	vst v63  }
0xa1: {  	_ =	swait.ge [sflag:s15], $0x2000  }
0xa2: {  	[sflag:s15] =	ssyncset.done $0x0  }
0xa3: {  	[sflag:s15] =	ssyncadd.s32 $0xFFFFE000  }
0xa4: {  	_ =	swait.ge [sflag:s30], $0x2000  }
0xa5: {  	[sflag:s30] =	ssyncset.done $0x0  }
0xa6: {  	[sflag:s30] =	ssyncadd.s32 $0xFFFFE000  }
0xa7: {  	[spmem:s2] =	stream.indirect.scatter.add.f32 [tilespmem:s23], [sflag:$0x6], $0x40, s20, s18, $0xb8;
	[tilespmem:$0x1E000] =	vst v63  }
0xa8: {  	_ =	swait.ge [sflag:s15], $0x2000  }
0xa9: {  	[sflag:s15] =	ssyncset.done $0x0  }
0xaa: {  	[sflag:s15] =	ssyncadd.s32 $0xFFFFE000  }
0xab: {  	_ =	swait.ge [sflag:s31], $0x2000  }
0xac: {  	[sflag:s31] =	ssyncset.done $0x0  }
0xad: {  	[sflag:s31] =	ssyncadd.s32 $0xFFFFE000  }
0xae: {  	[spmem:s2] =	stream.indirect.scatter.add.f32 [tilespmem:s25], [sflag:$0x6], $0x40, s22, s18, $0xb8;
	[tilespmem:$0x1E000] =	vst v63  }
0xaf: {  	s16 =	stileid.u32;
	_ =	swait.ge [sflag:s15], $0x2000  }
0xb0: {  	s24 =	sadd.s32 $0x1, s24;
	s0 =	sshll.u32 s16, $0x6;
	[sflag:s15] =	ssyncset.done $0x0  }
0xb1: {  	p0 =	sne.s32 s24, s14;
	s0 =	sor.u32 $0x1C06, s0;
	[sflag:s15] =	ssyncadd.s32 $0xFFFFE000  }
.Ltmp1:
0xb2: {  	s1 =	sshrl.u32 s8, $0x3;
	[bflag:$0x0] =	sbarrier.arrive $0xFFFF;
	(pc) =	sbr.rel @p0 .LBB2_1-.Ltmp1, $4  }
0xb3: {  	[hbm:s13], [sflag:s0] =	dma.local [spmem:s1], $0x1400  }
0xb4: {  	_ =	swait.ge [sflag:s15], $0x1400  }
0xb5: {  	[sflag:s15] =	ssyncset.done $0x0  }
0xb6: {  	[sflag:s15] =	ssyncadd.s32 $0xFFFFEC00  }
0xb7: {  	_ =	sfence.sel $0x180000  }
0xb8: {  	[bflag:$0x0] =	sbarrier.arrive $0xFFFF  }
0xb9: {  	_ =	strace $0x9000004A  }
0xba: {  	s0 =	stileid.u32;
	[bflag:$0x2] =	sbarrier.arrive $0xFFFF  }
0xbb: {  	p0 =	sne.s32 s0, $0x0;
	s0 =	rddreg [dreg:$0x3]  }
0xbc: {  	s0 =	sadd.s32 @!p0 $0x100000, s0  }
0xbd: {  	[sflag:s0] =	ssyncadd.tile.s32 @!p0 $0x1;
	_ =	shalt  }
.Lfunc_end2:
_tile_overlayer_lowered:
.L_overlay_start_2:
0xbe: {  	(tag) =	ssettag $0x2  }
0xbf: {  	s0 =	rddreg [dreg:$0x0];
	s2 =	stileid.u32  }
0xc0: {  	s1 =	rddreg [dreg:$0x1];
	p0 =	sne.s32 s2, $0x0  }
0xc1: {  	s3 =	rddreg [dreg:$0x2];
	[bflag:$0x3] =	sbarrier.arrive $0xFFFF;
	s2 =	simm.s32 @!p0 $0x1C06  }
0xc2: {  	[timem:s3], [sflag:s2] =	dma.local @!p0 [hbm:s0], s1  }
0xc3: {  	s0 =	simm.s32 @!p0 $0x6  }
0xc4: {  	_ =	swait.ge @!p0 [sflag:s0], s1  }
0xc5: {  	s1 =	ssub.s32 @!p0 $0x0, s1;
	[sflag:s0] =	ssyncset.done @!p0 $0x0  }
0xc6: {  	[sflag:s0] =	ssyncadd.s32 @!p0 s1  }
0xc7: {  	[bflag:$0x3] =	sbarrier.arrive $0xFFFF  }
0xc8: {  	_ =	shalt  }

</sc_bundles>
